<compile_context>
chip_gen: v7x
topology: tpu7x:2x2x1
jax: 0.10.2.dev20260603
libtpu: 0.0.44.dev20260713+nightly
codegen_flags: <defaults>
</compile_context>

<pallas_src>
import functools

import jax
import jax.numpy as jnp
from jax import lax
from jax.experimental import pallas as pl
from jax.experimental import pallas as _pl
from jax.experimental.pallas import tpu as pltpu
from jax.experimental.pallas import tpu_sc as plsc

T = 2048
H = 1024
FF = 1024
E = 8
BT = 256
NT = T // BT + E - 1
PAD_T = NT * BT
NW = 32


def _router_body(x_ref, wr_ref, xs_ref, eidx_ref):
    x = x_ref[...]
    logits = lax.dot_general(
        x, wr_ref[...], (((1,), (1,)), ((), ())),
        preferred_element_type=jnp.float32,
    )
    topv = jnp.max(logits, axis=1, keepdims=True)
    ids = lax.broadcasted_iota(jnp.int32, logits.shape, 1)
    eidx_ref[...] = jnp.min(jnp.where(logits == topv, ids, E), axis=1,
                            keepdims=True)
    xs_ref[...] = x * jax.nn.sigmoid(topv)


def _swiglu(xb, wg, wu, wd):
    nt = (((1,), (1,)), ((), ()))
    g = lax.dot_general(xb, wg, nt, preferred_element_type=jnp.float32)
    u = lax.dot_general(xb, wu, nt, preferred_element_type=jnp.float32)
    act = (g * jax.nn.sigmoid(g) * u).astype(jnp.bfloat16)
    return lax.dot_general(act, wd, nt, preferred_element_type=jnp.float32)


def _routed_ffn_body(te_ref, xp_ref, wg_ref, wu_ref, wd_ref, out_ref):
    del te_ref
    out_ref[...] = _swiglu(xp_ref[...].astype(jnp.bfloat16),
                           wg_ref[0].astype(jnp.bfloat16),
                           wu_ref[0].astype(jnp.bfloat16),
                           wd_ref[0].astype(jnp.bfloat16))


def _shared_ffn_body(x_ref, wg_ref, wu_ref, wd_ref, out_ref):
    xb = x_ref[...].astype(jnp.bfloat16)
    out_ref[...] = _swiglu(xb, wg_ref[...].astype(jnp.bfloat16),
                           wu_ref[...].astype(jnp.bfloat16),
                           wd_ref[...].astype(jnp.bfloat16))


def _add_body(a_ref, b_ref, o_ref):
    o_ref[...] = a_ref[...] + b_ref[...]


def _sc_worker_id():
    return lax.axis_index("s") * 2 + lax.axis_index("c")


def _make_row_gather(table_rows, out_rows, n_workers, chunk):
    rows_w = out_rows // n_workers
    nch = rows_w // chunk
    assert nch <= 8
    mesh = plsc.VectorSubcoreMesh(core_axis_name="c", subcore_axis_name="s")

    @functools.partial(
        pl.kernel, mesh=mesh,
        out_type=jax.ShapeDtypeStruct((out_rows, H), jnp.float32),
        scratch_types=[
            pltpu.VMEM((8, chunk), jnp.int32),
            [pltpu.VMEM((chunk, H), jnp.float32) for _ in range(2)],
            [pltpu.SemaphoreType.DMA for _ in range(2)],
            [pltpu.SemaphoreType.DMA for _ in range(2)],
        ],
    )
    def gather_k(table_hbm, idx_hbm, out_hbm, idx_v, bufs, gsems, ssems):
        wid = _sc_worker_id()

        @pl.when(wid < n_workers)
        def _():
            off = wid * rows_w
            pltpu.sync_copy(idx_hbm.at[pl.ds(wid * 8, 8)], idx_v)
            gets = [None, None]
            puts = [None, None]
            for c in range(nch):
                b = c % 2
                if puts[b] is not None:
                    puts[b].wait()
                gets[b] = pltpu.async_copy(
                    table_hbm.at[idx_v.at[c]], bufs[b], gsems[b])
                if c > 0:
                    pb = (c - 1) % 2
                    gets[pb].wait()
                    puts[pb] = pltpu.async_copy(
                        bufs[pb],
                        out_hbm.at[pl.ds(off + (c - 1) * chunk, chunk)],
                        ssems[pb])
            lb = (nch - 1) % 2
            gets[lb].wait()
            pltpu.async_copy(bufs[lb],
                             out_hbm.at[pl.ds(off + (nch - 1) * chunk, chunk)],
                             ssems[lb]).wait()
            if puts[1 - lb] is not None:
                puts[1 - lb].wait()

    return gather_k


def _make_row_scatter(out_rows, n_workers, chunk):
    src_rows_w = None
    mesh = plsc.VectorSubcoreMesh(core_axis_name="c", subcore_axis_name="s")

    @functools.partial(
        pl.kernel, mesh=mesh,
        out_type=jax.ShapeDtypeStruct((out_rows, H), jnp.float32),
        scratch_types=[
            pltpu.VMEM((8, chunk), jnp.int32),
            [pltpu.VMEM((chunk, H), jnp.float32) for _ in range(2)],
            [pltpu.SemaphoreType.DMA for _ in range(2)],
            [pltpu.SemaphoreType.DMA for _ in range(2)],
        ],
    )
    def scatter_k(src_hbm, idx_hbm, out_hbm, idx_v, bufs, gsems, ssems):
        rows_w = src_hbm.shape[0] // n_workers
        nch = rows_w // chunk
        wid = _sc_worker_id()

        @pl.when(wid < n_workers)
        def _():
            off = wid * rows_w
            pltpu.sync_copy(idx_hbm.at[pl.ds(wid * 8, 8)], idx_v)
            gets = [None, None]
            puts = [None, None]
            for c in range(nch):
                b = c % 2
                if puts[b] is not None:
                    puts[b].wait()
                gets[b] = pltpu.async_copy(
                    src_hbm.at[pl.ds(off + c * chunk, chunk)], bufs[b],
                    gsems[b])
                if c > 0:
                    pb = (c - 1) % 2
                    gets[pb].wait()
                    puts[pb] = pltpu.async_copy(
                        bufs[pb], out_hbm.at[idx_v.at[c - 1]], ssems[pb])
            lb = (nch - 1) % 2
            gets[lb].wait()
            pltpu.async_copy(bufs[lb], out_hbm.at[idx_v.at[nch - 1]],
                             ssems[lb]).wait()
            if puts[1 - lb] is not None:
                puts[1 - lb].wait()

    return scatter_k


def _pad_idx_rows(idx_flat, n_workers, chunk):
    nch = idx_flat.shape[0] // (n_workers * chunk)
    idx3 = idx_flat.reshape(n_workers, nch, chunk)
    return jnp.pad(idx3, ((0, 0), (0, 8 - nch), (0, 0))).reshape(
        n_workers * 8, chunk)


def kernel(hidden_states, Wr, Wg, Wu, Wd, Wsg, Wsu, Wsd):
    x = hidden_states

    xs, eidx = pl.pallas_call(
        _router_body,
        out_shape=[
            jax.ShapeDtypeStruct((T, H), jnp.float32),
            jax.ShapeDtypeStruct((T, 1), jnp.int32),
        ],
    )(x, Wr)

    e = eidx[:, 0]
    oh = (e[:, None] == jnp.arange(E, dtype=jnp.int32)[None, :]).astype(
        jnp.int32)
    csum = jnp.cumsum(oh, axis=0)
    counts = csum[-1]
    pcnt = ((counts + BT - 1) // BT) * BT
    pcum = jnp.cumsum(pcnt).astype(jnp.int32)
    pstart = pcum - pcnt
    pos = jnp.sum(oh * (csum + pstart[None, :]), axis=1) - 1
    pos_rows = _pad_idx_rows(pos, NW, 16)
    tile_lo = jnp.arange(NT, dtype=jnp.int32) * BT
    te = jnp.minimum(
        jnp.sum((pcum[None, :] <= tile_lo[:, None]).astype(jnp.int32),
                axis=1),
        E - 1).astype(jnp.int32)

    xp = _make_row_scatter(PAD_T, NW, 16)(xs, pos_rows)

    ysh = pl.pallas_call(
        _shared_ffn_body,
        grid=(T // BT,),
        in_specs=[
            pl.BlockSpec((BT, H), lambda i: (i, 0)),
            pl.BlockSpec((FF, H), lambda i: (0, 0)),
            pl.BlockSpec((FF, H), lambda i: (0, 0)),
            pl.BlockSpec((H, FF), lambda i: (0, 0)),
        ],
        out_specs=pl.BlockSpec((BT, H), lambda i: (i, 0)),
        out_shape=jax.ShapeDtypeStruct((T, H), jnp.float32),
    )(x, Wsg, Wsu, Wsd)

    grid_spec = pltpu.PrefetchScalarGridSpec(
        num_scalar_prefetch=1,
        grid=(NT,),
        in_specs=[
            pl.BlockSpec((BT, H), lambda i, te_r: (i, 0)),
            pl.BlockSpec((1, FF, H), lambda i, te_r: (te_r[i], 0, 0)),
            pl.BlockSpec((1, FF, H), lambda i, te_r: (te_r[i], 0, 0)),
            pl.BlockSpec((1, H, FF), lambda i, te_r: (te_r[i], 0, 0)),
        ],
        out_specs=pl.BlockSpec((BT, H), lambda i, te_r: (i, 0)),
    )
    yr = pl.pallas_call(
        _routed_ffn_body,
        grid_spec=grid_spec,
        out_shape=jax.ShapeDtypeStruct((PAD_T, H), jnp.float32),
    )(te, xp, Wg, Wu, Wd)

    ygat = _make_row_gather(PAD_T, T, NW, 16)(yr, pos_rows)

    return pl.pallas_call(
        _add_body,
        grid=(T // BT,),
        in_specs=[
            pl.BlockSpec((BT, H), lambda i: (i, 0)),
            pl.BlockSpec((BT, H), lambda i: (i, 0)),
        ],
        out_specs=pl.BlockSpec((BT, H), lambda i: (i, 0)),
        out_shape=jax.ShapeDtypeStruct((T, H), jnp.float32),
    )(ysh, ygat)

# --- scband reference (transcript-rebuilt; emitter-appended) ---
"""Pipeline reference for scband-llama4-mo-e-78993038508065 (READ-ONLY COPY).

The authoritative reference and input builder live on the scoring server;
editing this copy changes nothing except your own understanding.
"""

import jax, jax.numpy as jnp
import numpy as np

E = 8
TOPK = 1
H = 1024
FF = 1024
FFS = 1024
T = 2048


def _silu(x):
    return x * jax.nn.sigmoid(x)


def setup_inputs(seed: int = 0) -> dict:
    key = jax.random.key(seed)
    ks = jax.random.split(key, 9)
    s = 0.02
    return {
        "hidden_states": jax.random.normal(ks[0], (T, H), dtype=jnp.float32),
        "Wr": jax.random.normal(ks[1], (E, H), dtype=jnp.float32) * s,
        "Wg": jax.random.normal(ks[2], (E, FF, H), dtype=jnp.float32) * s,
        "Wu": jax.random.normal(ks[3], (E, FF, H), dtype=jnp.float32) * s,
        "Wd": jax.random.normal(ks[4], (E, H, FF), dtype=jnp.float32) * s,
        "Wsg": jax.random.normal(ks[5], (FFS, H), dtype=jnp.float32) * s,
        "Wsu": jax.random.normal(ks[6], (FFS, H), dtype=jnp.float32) * s,
        "Wsd": jax.random.normal(ks[7], (H, FFS), dtype=jnp.float32) * s,
    }


def reference(hidden_states, Wr, Wg, Wu, Wd, Wsg, Wsu, Wsd):
    x = hidden_states
    # ---- shared expert: GatedMLP (SwiGLU), no bias ----
    shared = (_silu(x @ Wsg.T) * (x @ Wsu.T)) @ Wsd.T
    # ---- router (fp32 logits) ----
    logits = x.astype(jnp.float32) @ Wr.T.astype(jnp.float32)  # [T, E]
    # Llama4RenormalizeMoeRoutingMethod: top-k then sigmoid gate
    topv, topi = jax.lax.top_k(logits, TOPK)                   # [T, 1]
    gate = jax.nn.sigmoid(topv).astype(x.dtype)                # [T, 1]
    # apply_router_weight_on_input=True (top_k == 1): scale tokens by gate
    xs = x * gate                                              # [T, H]
    combine = jax.nn.one_hot(topi[:, 0], E, dtype=x.dtype)     # [T, E]
    # ---- routed experts: fused gate_up SwiGLU per expert ----
    g = jnp.einsum('th,efh->tef', xs, Wg)                      # [T, E, FF]
    u = jnp.einsum('th,efh->tef', xs, Wu)                      # [T, E, FF]
    act = _silu(g) * u                                         # [T, E, FF]
    y = jnp.einsum('tef,ehf->teh', act, Wd)                    # [T, E, H]
    routed = jnp.einsum('teh,te->th', y, combine)              # [T, H]
    return shared + routed

if __name__ == "__main__":
    import jax
    _d = setup_inputs()
    print(jax.jit(kernel)(*tuple(_d.values())))

</pallas_src>

<mosaic_0001>
#map = affine_map<(d0, d1) -> (0, 0)>
module attributes {stable_mosaic.version = 14 : i64} {
  func.func @gather_k(%arg0: i32, %arg1: i32, %arg2: memref<3840x1024xf32, #tpu.memory_space<hbm>>, %arg3: memref<256x16xi32, #tpu.memory_space<hbm>>, %arg4: memref<2048x1024xf32, #tpu.memory_space<hbm>>, %arg5: memref<8x16xi32, #tpu.memory_space<vmem>>, %arg6: memref<16x1024xf32, #tpu.memory_space<vmem>>, %arg7: memref<16x1024xf32, #tpu.memory_space<vmem>>, %arg8: memref<!tpu.dma_semaphore, #tpu.memory_space<semaphore_mem>>, %arg9: memref<!tpu.dma_semaphore, #tpu.memory_space<semaphore_mem>>, %arg10: memref<!tpu.dma_semaphore, #tpu.memory_space<semaphore_mem>>, %arg11: memref<!tpu.dma_semaphore, #tpu.memory_space<semaphore_mem>>) attributes {dimension_semantics = [#tpu.dimension_semantics<core_parallel>, #tpu.dimension_semantics<subcore_parallel>], iteration_bounds = array<i64: 2, 16>, scalar_prefetch = 0 : i64, scratch_operands = 7 : i64, tpu.core_type = #tpu.core_type<sc_vector_subcore>, window_params = [{transform_indices = #map}, {transform_indices = #map}, {transform_indices = #map}]} {
    %mul3A = arith.constant 2 : i32
    %mul3A_0 = arith.muli %arg1, %mul3A : i32
    %add3A = arith.addi %mul3A_0, %arg0 : i32
    %lt3A = arith.constant 32 : i32
    %lt3A_1 = arith.cmpi slt, %add3A, %lt3A : i32
    %convert_element_type3A = arith.extui %lt3A_1 : i1 to i32
    %cond3A = arith.constant 0 : i32
    %cond3A_2 = arith.cmpi ne, %convert_element_type3A, %cond3A : i32
    scf.if %cond3A_2 {
      %mul3A_3 = arith.constant 64 : i32
      %mul3A_4 = arith.muli %add3A, %mul3A_3 : i32
      %mul3A_5 = arith.constant 8 : i32
      %mul3A_6 = arith.muli %add3A, %mul3A_5 : i32
      "tpu.region"() ({
        %run_scoped3A = tpu.sem_alloc : memref<!tpu.dma_semaphore, #tpu.memory_space<semaphore_mem>>
        %dma_start3A_101 = arith.constant 0 : i32
        %dma_start3A_102 = tpu.memref_slice %arg3[%mul3A_6, %dma_start3A_101] : memref<256x16xi32, #tpu.memory_space<hbm>> -> memref<8x16xi32, #tpu.memory_space<hbm>>
        %dma_start3A_103 = arith.constant 0 : i32
        %dma_start3A_104 = tpu.memref_slice %arg3[%mul3A_6, %dma_start3A_103] : memref<256x16xi32, #tpu.memory_space<hbm>> -> memref<8x16xi32, #tpu.memory_space<hbm>>
        tpu.enqueue_dma source(%dma_start3A_104 : memref<8x16xi32, #tpu.memory_space<hbm>>) target(%arg5 : memref<8x16xi32, #tpu.memory_space<vmem>>) target_semaphore(%run_scoped3A : memref<!tpu.dma_semaphore, #tpu.memory_space<semaphore_mem>>)
        %dma_wait3A_105 = arith.constant 0 : i32
        %dma_wait3A_106 = tpu.memref_slice %arg3[%mul3A_6, %dma_wait3A_105] : memref<256x16xi32, #tpu.memory_space<hbm>> -> memref<8x16xi32, #tpu.memory_space<hbm>>
        %dma_wait3A_107 = arith.constant 0 : i32
        %dma_wait3A_108 = tpu.memref_slice %arg3[%mul3A_6, %dma_wait3A_107] : memref<256x16xi32, #tpu.memory_space<hbm>> -> memref<8x16xi32, #tpu.memory_space<hbm>>
        tpu.wait_dma2 semaphore(%run_scoped3A : memref<!tpu.dma_semaphore, #tpu.memory_space<semaphore_mem>>) src(%dma_wait3A_108 : memref<8x16xi32, #tpu.memory_space<hbm>>) dst(%arg5 : memref<8x16xi32, #tpu.memory_space<vmem>>)
        tpu.yield
      }) : () -> ()
      %dma_start3A = arith.constant 0 : i32
      %dma_start3A_7 = arith.constant 0 : i32
      %dma_start3A_8 = tpu.memref_slice %arg5[%dma_start3A, %dma_start3A_7] : memref<8x16xi32, #tpu.memory_space<vmem>> -> memref<1x16xi32, #tpu.memory_space<vmem>>
      %dma_start3A_9 = tpu.memref_squeeze %dma_start3A_8 : memref<1x16xi32, #tpu.memory_space<vmem>> -> memref<16xi32, #tpu.memory_space<vmem>>
      %dma_start3A_10 = arith.constant 0 : i32
      %dma_start3A_11 = arith.constant 0 : i32
      %dma_start3A_12 = tpu.memref_slice %arg2[%dma_start3A_10, %dma_start3A_11] : memref<3840x1024xf32, #tpu.memory_space<hbm>> -> memref<3840x1024xf32, #tpu.memory_space<hbm>>
      tpu.enqueue_indirect_dma source(%dma_start3A_12 : memref<3840x1024xf32, #tpu.memory_space<hbm>>) target(%arg6 : memref<16x1024xf32, #tpu.memory_space<vmem>>) offsets(%dma_start3A_9 : memref<16xi32, #tpu.memory_space<vmem>>) semaphore(%arg8 : memref<!tpu.dma_semaphore, #tpu.memory_space<semaphore_mem>>)
      %dma_start3A_13 = arith.constant 1 : i32
      %dma_start3A_14 = arith.constant 0 : i32
      %dma_start3A_15 = tpu.memref_slice %arg5[%dma_start3A_13, %dma_start3A_14] : memref<8x16xi32, #tpu.memory_space<vmem>> -> memref<1x16xi32, #tpu.memory_space<vmem>>
      %dma_start3A_16 = tpu.memref_squeeze %dma_start3A_15 : memref<1x16xi32, #tpu.memory_space<vmem>> -> memref<16xi32, #tpu.memory_space<vmem>>
      %dma_start3A_17 = arith.constant 0 : i32
      %dma_start3A_18 = arith.constant 0 : i32
      %dma_start3A_19 = tpu.memref_slice %arg2[%dma_start3A_17, %dma_start3A_18] : memref<3840x1024xf32, #tpu.memory_space<hbm>> -> memref<3840x1024xf32, #tpu.memory_space<hbm>>
      tpu.enqueue_indirect_dma source(%dma_start3A_19 : memref<3840x1024xf32, #tpu.memory_space<hbm>>) target(%arg7 : memref<16x1024xf32, #tpu.memory_space<vmem>>) offsets(%dma_start3A_16 : memref<16xi32, #tpu.memory_space<vmem>>) semaphore(%arg9 : memref<!tpu.dma_semaphore, #tpu.memory_space<semaphore_mem>>)
      %dma_wait3A = arith.constant 0 : i32
      %dma_wait3A_20 = arith.constant 0 : i32
      %dma_wait3A_21 = tpu.memref_slice %arg5[%dma_wait3A, %dma_wait3A_20] : memref<8x16xi32, #tpu.memory_space<vmem>> -> memref<1x16xi32, #tpu.memory_space<vmem>>
      %dma_wait3A_22 = tpu.memref_squeeze %dma_wait3A_21 : memref<1x16xi32, #tpu.memory_space<vmem>> -> memref<16xi32, #tpu.memory_space<vmem>>
      %dma_wait3A_23 = arith.constant 0 : i32
      %dma_wait3A_24 = arith.constant 0 : i32
      %dma_wait3A_25 = tpu.memref_slice %arg2[%dma_wait3A_23, %dma_wait3A_24] : memref<3840x1024xf32, #tpu.memory_space<hbm>> -> memref<3840x1024xf32, #tpu.memory_space<hbm>>
      tpu.wait_indirect_dma semaphore(%arg8 : memref<!tpu.dma_semaphore, #tpu.memory_space<semaphore_mem>>) src(%dma_wait3A_25 : memref<3840x1024xf32, #tpu.memory_space<hbm>>) dst(%arg6 : memref<16x1024xf32, #tpu.memory_space<vmem>>)
      %add3A_26 = arith.constant 0 : i32
      %add3A_27 = arith.addi %mul3A_4, %add3A_26 : i32
      %dma_start3A_28 = arith.constant 0 : i32
      %dma_start3A_29 = tpu.memref_slice %arg4[%add3A_27, %dma_start3A_28] : memref<2048x1024xf32, #tpu.memory_space<hbm>> -> memref<16x1024xf32, #tpu.memory_space<hbm>>
      %dma_start3A_30 = arith.constant 0 : i32
      %dma_start3A_31 = tpu.memref_slice %arg4[%add3A_27, %dma_start3A_30] : memref<2048x1024xf32, #tpu.memory_space<hbm>> -> memref<16x1024xf32, #tpu.memory_space<hbm>>
      tpu.enqueue_dma source(%arg6 : memref<16x1024xf32, #tpu.memory_space<vmem>>) target(%dma_start3A_31 : memref<16x1024xf32, #tpu.memory_space<hbm>>) target_semaphore(%arg10 : memref<!tpu.dma_semaphore, #tpu.memory_space<semaphore_mem>>)
      %dma_wait3A_32 = arith.constant 0 : i32
      %dma_wait3A_33 = tpu.memref_slice %arg4[%add3A_27, %dma_wait3A_32] : memref<2048x1024xf32, #tpu.memory_space<hbm>> -> memref<16x1024xf32, #tpu.memory_space<hbm>>
      %dma_wait3A_34 = arith.constant 0 : i32
      %dma_wait3A_35 = tpu.memref_slice %arg4[%add3A_27, %dma_wait3A_34] : memref<2048x1024xf32, #tpu.memory_space<hbm>> -> memref<16x1024xf32, #tpu.memory_space<hbm>>
      tpu.wait_dma2 semaphore(%arg10 : memref<!tpu.dma_semaphore, #tpu.memory_space<semaphore_mem>>) src(%arg6 : memref<16x1024xf32, #tpu.memory_space<vmem>>) dst(%dma_wait3A_35 : memref<16x1024xf32, #tpu.memory_space<hbm>>)
      %dma_start3A_36 = arith.constant 2 : i32
      %dma_start3A_37 = arith.constant 0 : i32
      %dma_start3A_38 = tpu.memref_slice %arg5[%dma_start3A_36, %dma_start3A_37] : memref<8x16xi32, #tpu.memory_space<vmem>> -> memref<1x16xi32, #tpu.memory_space<vmem>>
      %dma_start3A_39 = tpu.memref_squeeze %dma_start3A_38 : memref<1x16xi32, #tpu.memory_space<vmem>> -> memref<16xi32, #tpu.memory_space<vmem>>
      %dma_start3A_40 = arith.constant 0 : i32
      %dma_start3A_41 = arith.constant 0 : i32
      %dma_start3A_42 = tpu.memref_slice %arg2[%dma_start3A_40, %dma_start3A_41] : memref<3840x1024xf32, #tpu.memory_space<hbm>> -> memref<3840x1024xf32, #tpu.memory_space<hbm>>
      tpu.enqueue_indirect_dma source(%dma_start3A_42 : memref<3840x1024xf32, #tpu.memory_space<hbm>>) target(%arg6 : memref<16x1024xf32, #tpu.memory_space<vmem>>) offsets(%dma_start3A_39 : memref<16xi32, #tpu.memory_space<vmem>>) semaphore(%arg8 : memref<!tpu.dma_semaphore, #tpu.memory_space<semaphore_mem>>)
      %dma_wait3A_43 = arith.constant 1 : i32
      %dma_wait3A_44 = arith.constant 0 : i32
      %dma_wait3A_45 = tpu.memref_slice %arg5[%dma_wait3A_43, %dma_wait3A_44] : memref<8x16xi32, #tpu.memory_space<vmem>> -> memref<1x16xi32, #tpu.memory_space<vmem>>
      %dma_wait3A_46 = tpu.memref_squeeze %dma_wait3A_45 : memref<1x16xi32, #tpu.memory_space<vmem>> -> memref<16xi32, #tpu.memory_space<vmem>>
      %dma_wait3A_47 = arith.constant 0 : i32
      %dma_wait3A_48 = arith.constant 0 : i32
      %dma_wait3A_49 = tpu.memref_slice %arg2[%dma_wait3A_47, %dma_wait3A_48] : memref<3840x1024xf32, #tpu.memory_space<hbm>> -> memref<3840x1024xf32, #tpu.memory_space<hbm>>
      tpu.wait_indirect_dma semaphore(%arg9 : memref<!tpu.dma_semaphore, #tpu.memory_space<semaphore_mem>>) src(%dma_wait3A_49 : memref<3840x1024xf32, #tpu.memory_space<hbm>>) dst(%arg7 : memref<16x1024xf32, #tpu.memory_space<vmem>>)
      %add3A_50 = arith.constant 16 : i32
      %add3A_51 = arith.addi %mul3A_4, %add3A_50 : i32
      %dma_start3A_52 = arith.constant 0 : i32
      %dma_start3A_53 = tpu.memref_slice %arg4[%add3A_51, %dma_start3A_52] : memref<2048x1024xf32, #tpu.memory_space<hbm>> -> memref<16x1024xf32, #tpu.memory_space<hbm>>
      %dma_start3A_54 = arith.constant 0 : i32
      %dma_start3A_55 = tpu.memref_slice %arg4[%add3A_51, %dma_start3A_54] : memref<2048x1024xf32, #tpu.memory_space<hbm>> -> memref<16x1024xf32, #tpu.memory_space<hbm>>
      tpu.enqueue_dma source(%arg7 : memref<16x1024xf32, #tpu.memory_space<vmem>>) target(%dma_start3A_55 : memref<16x1024xf32, #tpu.memory_space<hbm>>) target_semaphore(%arg11 : memref<!tpu.dma_semaphore, #tpu.memory_space<semaphore_mem>>)
      %dma_wait3A_56 = arith.constant 0 : i32
      %dma_wait3A_57 = tpu.memref_slice %arg4[%add3A_51, %dma_wait3A_56] : memref<2048x1024xf32, #tpu.memory_space<hbm>> -> memref<16x1024xf32, #tpu.memory_space<hbm>>
      %dma_wait3A_58 = arith.constant 0 : i32
      %dma_wait3A_59 = tpu.memref_slice %arg4[%add3A_51, %dma_wait3A_58] : memref<2048x1024xf32, #tpu.memory_space<hbm>> -> memref<16x1024xf32, #tpu.memory_space<hbm>>
      tpu.wait_dma2 semaphore(%arg11 : memref<!tpu.dma_semaphore, #tpu.memory_space<semaphore_mem>>) src(%arg7 : memref<16x1024xf32, #tpu.memory_space<vmem>>) dst(%dma_wait3A_59 : memref<16x1024xf32, #tpu.memory_space<hbm>>)
      %dma_start3A_60 = arith.constant 3 : i32
      %dma_start3A_61 = arith.constant 0 : i32
      %dma_start3A_62 = tpu.memref_slice %arg5[%dma_start3A_60, %dma_start3A_61] : memref<8x16xi32, #tpu.memory_space<vmem>> -> memref<1x16xi32, #tpu.memory_space<vmem>>
      %dma_start3A_63 = tpu.memref_squeeze %dma_start3A_62 : memref<1x16xi32, #tpu.memory_space<vmem>> -> memref<16xi32, #tpu.memory_space<vmem>>
      %dma_start3A_64 = arith.constant 0 : i32
      %dma_start3A_65 = arith.constant 0 : i32
      %dma_start3A_66 = tpu.memref_slice %arg2[%dma_start3A_64, %dma_start3A_65] : memref<3840x1024xf32, #tpu.memory_space<hbm>> -> memref<3840x1024xf32, #tpu.memory_space<hbm>>
      tpu.enqueue_indirect_dma source(%dma_start3A_66 : memref<3840x1024xf32, #tpu.memory_space<hbm>>) target(%arg7 : memref<16x1024xf32, #tpu.memory_space<vmem>>) offsets(%dma_start3A_63 : memref<16xi32, #tpu.memory_space<vmem>>) semaphore(%arg9 : memref<!tpu.dma_semaphore, #tpu.memory_space<semaphore_mem>>)
      %dma_wait3A_67 = arith.constant 2 : i32
      %dma_wait3A_68 = arith.constant 0 : i32
      %dma_wait3A_69 = tpu.memref_slice %arg5[%dma_wait3A_67, %dma_wait3A_68] : memref<8x16xi32, #tpu.memory_space<vmem>> -> memref<1x16xi32, #tpu.memory_space<vmem>>
      %dma_wait3A_70 = tpu.memref_squeeze %dma_wait3A_69 : memref<1x16xi32, #tpu.memory_space<vmem>> -> memref<16xi32, #tpu.memory_space<vmem>>
      %dma_wait3A_71 = arith.constant 0 : i32
      %dma_wait3A_72 = arith.constant 0 : i32
      %dma_wait3A_73 = tpu.memref_slice %arg2[%dma_wait3A_71, %dma_wait3A_72] : memref<3840x1024xf32, #tpu.memory_space<hbm>> -> memref<3840x1024xf32, #tpu.memory_space<hbm>>
      tpu.wait_indirect_dma semaphore(%arg8 : memref<!tpu.dma_semaphore, #tpu.memory_space<semaphore_mem>>) src(%dma_wait3A_73 : memref<3840x1024xf32, #tpu.memory_space<hbm>>) dst(%arg6 : memref<16x1024xf32, #tpu.memory_space<vmem>>)
      %add3A_74 = arith.constant 32 : i32
      %add3A_75 = arith.addi %mul3A_4, %add3A_74 : i32
      %dma_start3A_76 = arith.constant 0 : i32
      %dma_start3A_77 = tpu.memref_slice %arg4[%add3A_75, %dma_start3A_76] : memref<2048x1024xf32, #tpu.memory_space<hbm>> -> memref<16x1024xf32, #tpu.memory_space<hbm>>
      %dma_start3A_78 = arith.constant 0 : i32
      %dma_start3A_79 = tpu.memref_slice %arg4[%add3A_75, %dma_start3A_78] : memref<2048x1024xf32, #tpu.memory_space<hbm>> -> memref<16x1024xf32, #tpu.memory_space<hbm>>
      tpu.enqueue_dma source(%arg6 : memref<16x1024xf32, #tpu.memory_space<vmem>>) target(%dma_start3A_79 : memref<16x1024xf32, #tpu.memory_space<hbm>>) target_semaphore(%arg10 : memref<!tpu.dma_semaphore, #tpu.memory_space<semaphore_mem>>)
      %dma_wait3A_80 = arith.constant 3 : i32
      %dma_wait3A_81 = arith.constant 0 : i32
      %dma_wait3A_82 = tpu.memref_slice %arg5[%dma_wait3A_80, %dma_wait3A_81] : memref<8x16xi32, #tpu.memory_space<vmem>> -> memref<1x16xi32, #tpu.memory_space<vmem>>
      %dma_wait3A_83 = tpu.memref_squeeze %dma_wait3A_82 : memref<1x16xi32, #tpu.memory_space<vmem>> -> memref<16xi32, #tpu.memory_space<vmem>>
      %dma_wait3A_84 = arith.constant 0 : i32
      %dma_wait3A_85 = arith.constant 0 : i32
      %dma_wait3A_86 = tpu.memref_slice %arg2[%dma_wait3A_84, %dma_wait3A_85] : memref<3840x1024xf32, #tpu.memory_space<hbm>> -> memref<3840x1024xf32, #tpu.memory_space<hbm>>
      tpu.wait_indirect_dma semaphore(%arg9 : memref<!tpu.dma_semaphore, #tpu.memory_space<semaphore_mem>>) src(%dma_wait3A_86 : memref<3840x1024xf32, #tpu.memory_space<hbm>>) dst(%arg7 : memref<16x1024xf32, #tpu.memory_space<vmem>>)
      %add3A_87 = arith.constant 48 : i32
      %add3A_88 = arith.addi %mul3A_4, %add3A_87 : i32
      %dma_start3A_89 = arith.constant 0 : i32
      %dma_start3A_90 = tpu.memref_slice %arg4[%add3A_88, %dma_start3A_89] : memref<2048x1024xf32, #tpu.memory_space<hbm>> -> memref<16x1024xf32, #tpu.memory_space<hbm>>
      %dma_start3A_91 = arith.constant 0 : i32
      %dma_start3A_92 = tpu.memref_slice %arg4[%add3A_88, %dma_start3A_91] : memref<2048x1024xf32, #tpu.memory_space<hbm>> -> memref<16x1024xf32, #tpu.memory_space<hbm>>
      tpu.enqueue_dma source(%arg7 : memref<16x1024xf32, #tpu.memory_space<vmem>>) target(%dma_start3A_92 : memref<16x1024xf32, #tpu.memory_space<hbm>>) target_semaphore(%arg11 : memref<!tpu.dma_semaphore, #tpu.memory_space<semaphore_mem>>)
      %dma_wait3A_93 = arith.constant 0 : i32
      %dma_wait3A_94 = tpu.memref_slice %arg4[%add3A_88, %dma_wait3A_93] : memref<2048x1024xf32, #tpu.memory_space<hbm>> -> memref<16x1024xf32, #tpu.memory_space<hbm>>
      %dma_wait3A_95 = arith.constant 0 : i32
      %dma_wait3A_96 = tpu.memref_slice %arg4[%add3A_88, %dma_wait3A_95] : memref<2048x1024xf32, #tpu.memory_space<hbm>> -> memref<16x1024xf32, #tpu.memory_space<hbm>>
      tpu.wait_dma2 semaphore(%arg11 : memref<!tpu.dma_semaphore, #tpu.memory_space<semaphore_mem>>) src(%arg7 : memref<16x1024xf32, #tpu.memory_space<vmem>>) dst(%dma_wait3A_96 : memref<16x1024xf32, #tpu.memory_space<hbm>>)
      %dma_wait3A_97 = arith.constant 0 : i32
      %dma_wait3A_98 = tpu.memref_slice %arg4[%add3A_75, %dma_wait3A_97] : memref<2048x1024xf32, #tpu.memory_space<hbm>> -> memref<16x1024xf32, #tpu.memory_space<hbm>>
      %dma_wait3A_99 = arith.constant 0 : i32
      %dma_wait3A_100 = tpu.memref_slice %arg4[%add3A_75, %dma_wait3A_99] : memref<2048x1024xf32, #tpu.memory_space<hbm>> -> memref<16x1024xf32, #tpu.memory_space<hbm>>
      tpu.wait_dma2 semaphore(%arg10 : memref<!tpu.dma_semaphore, #tpu.memory_space<semaphore_mem>>) src(%arg6 : memref<16x1024xf32, #tpu.memory_space<vmem>>) dst(%dma_wait3A_100 : memref<16x1024xf32, #tpu.memory_space<hbm>>)
    } else {
    }
    return
  }
}

#map = affine_map<(d0, d1) -> (0, 0)>
module attributes {stable_mosaic.version = 14 : i64} {
  func.func @scatter_k(%arg0: i32, %arg1: i32, %arg2: memref<2048x1024xf32, #tpu.memory_space<hbm>>, %arg3: memref<256x16xi32, #tpu.memory_space<hbm>>, %arg4: memref<3840x1024xf32, #tpu.memory_space<hbm>>, %arg5: memref<8x16xi32, #tpu.memory_space<vmem>>, %arg6: memref<16x1024xf32, #tpu.memory_space<vmem>>, %arg7: memref<16x1024xf32, #tpu.memory_space<vmem>>, %arg8: memref<!tpu.dma_semaphore, #tpu.memory_space<semaphore_mem>>, %arg9: memref<!tpu.dma_semaphore, #tpu.memory_space<semaphore_mem>>, %arg10: memref<!tpu.dma_semaphore, #tpu.memory_space<semaphore_mem>>, %arg11: memref<!tpu.dma_semaphore, #tpu.memory_space<semaphore_mem>>) attributes {dimension_semantics = [#tpu.dimension_semantics<core_parallel>, #tpu.dimension_semantics<subcore_parallel>], iteration_bounds = array<i64: 2, 16>, scalar_prefetch = 0 : i64, scratch_operands = 7 : i64, tpu.core_type = #tpu.core_type<sc_vector_subcore>, window_params = [{transform_indices = #map}, {transform_indices = #map}, {transform_indices = #map}]} {
    %mul3A = arith.constant 2 : i32
    %mul3A_0 = arith.muli %arg1, %mul3A : i32
    %add3A = arith.addi %mul3A_0, %arg0 : i32
    %lt3A = arith.constant 32 : i32
    %lt3A_1 = arith.cmpi slt, %add3A, %lt3A : i32
    %convert_element_type3A = arith.extui %lt3A_1 : i1 to i32
    %cond3A = arith.constant 0 : i32
    %cond3A_2 = arith.cmpi ne, %convert_element_type3A, %cond3A : i32
    scf.if %cond3A_2 {
      %mul3A_3 = arith.constant 64 : i32
      %mul3A_4 = arith.muli %add3A, %mul3A_3 : i32
      %mul3A_5 = arith.constant 8 : i32
      %mul3A_6 = arith.muli %add3A, %mul3A_5 : i32
      "tpu.region"() ({
        %run_scoped3A = tpu.sem_alloc : memref<!tpu.dma_semaphore, #tpu.memory_space<semaphore_mem>>
        %dma_start3A_101 = arith.constant 0 : i32
        %dma_start3A_102 = tpu.memref_slice %arg3[%mul3A_6, %dma_start3A_101] : memref<256x16xi32, #tpu.memory_space<hbm>> -> memref<8x16xi32, #tpu.memory_space<hbm>>
        %dma_start3A_103 = arith.constant 0 : i32
        %dma_start3A_104 = tpu.memref_slice %arg3[%mul3A_6, %dma_start3A_103] : memref<256x16xi32, #tpu.memory_space<hbm>> -> memref<8x16xi32, #tpu.memory_space<hbm>>
        tpu.enqueue_dma source(%dma_start3A_104 : memref<8x16xi32, #tpu.memory_space<hbm>>) target(%arg5 : memref<8x16xi32, #tpu.memory_space<vmem>>) target_semaphore(%run_scoped3A : memref<!tpu.dma_semaphore, #tpu.memory_space<semaphore_mem>>)
        %dma_wait3A_105 = arith.constant 0 : i32
        %dma_wait3A_106 = tpu.memref_slice %arg3[%mul3A_6, %dma_wait3A_105] : memref<256x16xi32, #tpu.memory_space<hbm>> -> memref<8x16xi32, #tpu.memory_space<hbm>>
        %dma_wait3A_107 = arith.constant 0 : i32
        %dma_wait3A_108 = tpu.memref_slice %arg3[%mul3A_6, %dma_wait3A_107] : memref<256x16xi32, #tpu.memory_space<hbm>> -> memref<8x16xi32, #tpu.memory_space<hbm>>
        tpu.wait_dma2 semaphore(%run_scoped3A : memref<!tpu.dma_semaphore, #tpu.memory_space<semaphore_mem>>) src(%dma_wait3A_108 : memref<8x16xi32, #tpu.memory_space<hbm>>) dst(%arg5 : memref<8x16xi32, #tpu.memory_space<vmem>>)
        tpu.yield
      }) : () -> ()
      %add3A_7 = arith.constant 0 : i32
      %add3A_8 = arith.addi %mul3A_4, %add3A_7 : i32
      %dma_start3A = arith.constant 0 : i32
      %dma_start3A_9 = tpu.memref_slice %arg2[%add3A_8, %dma_start3A] : memref<2048x1024xf32, #tpu.memory_space<hbm>> -> memref<16x1024xf32, #tpu.memory_space<hbm>>
      %dma_start3A_10 = arith.constant 0 : i32
      %dma_start3A_11 = tpu.memref_slice %arg2[%add3A_8, %dma_start3A_10] : memref<2048x1024xf32, #tpu.memory_space<hbm>> -> memref<16x1024xf32, #tpu.memory_space<hbm>>
      tpu.enqueue_dma source(%dma_start3A_11 : memref<16x1024xf32, #tpu.memory_space<hbm>>) target(%arg6 : memref<16x1024xf32, #tpu.memory_space<vmem>>) target_semaphore(%arg8 : memref<!tpu.dma_semaphore, #tpu.memory_space<semaphore_mem>>)
      %add3A_12 = arith.constant 16 : i32
      %add3A_13 = arith.addi %mul3A_4, %add3A_12 : i32
      %dma_start3A_14 = arith.constant 0 : i32
      %dma_start3A_15 = tpu.memref_slice %arg2[%add3A_13, %dma_start3A_14] : memref<2048x1024xf32, #tpu.memory_space<hbm>> -> memref<16x1024xf32, #tpu.memory_space<hbm>>
      %dma_start3A_16 = arith.constant 0 : i32
      %dma_start3A_17 = tpu.memref_slice %arg2[%add3A_13, %dma_start3A_16] : memref<2048x1024xf32, #tpu.memory_space<hbm>> -> memref<16x1024xf32, #tpu.memory_space<hbm>>
      tpu.enqueue_dma source(%dma_start3A_17 : memref<16x1024xf32, #tpu.memory_space<hbm>>) target(%arg7 : memref<16x1024xf32, #tpu.memory_space<vmem>>) target_semaphore(%arg9 : memref<!tpu.dma_semaphore, #tpu.memory_space<semaphore_mem>>)
      %dma_wait3A = arith.constant 0 : i32
      %dma_wait3A_18 = tpu.memref_slice %arg2[%add3A_8, %dma_wait3A] : memref<2048x1024xf32, #tpu.memory_space<hbm>> -> memref<16x1024xf32, #tpu.memory_space<hbm>>
      %dma_wait3A_19 = arith.constant 0 : i32
      %dma_wait3A_20 = tpu.memref_slice %arg2[%add3A_8, %dma_wait3A_19] : memref<2048x1024xf32, #tpu.memory_space<hbm>> -> memref<16x1024xf32, #tpu.memory_space<hbm>>
      tpu.wait_dma2 semaphore(%arg8 : memref<!tpu.dma_semaphore, #tpu.memory_space<semaphore_mem>>) src(%dma_wait3A_20 : memref<16x1024xf32, #tpu.memory_space<hbm>>) dst(%arg6 : memref<16x1024xf32, #tpu.memory_space<vmem>>)
      %dma_start3A_21 = arith.constant 0 : i32
      %dma_start3A_22 = arith.constant 0 : i32
      %dma_start3A_23 = tpu.memref_slice %arg5[%dma_start3A_21, %dma_start3A_22] : memref<8x16xi32, #tpu.memory_space<vmem>> -> memref<1x16xi32, #tpu.memory_space<vmem>>
      %dma_start3A_24 = tpu.memref_squeeze %dma_start3A_23 : memref<1x16xi32, #tpu.memory_space<vmem>> -> memref<16xi32, #tpu.memory_space<vmem>>
      %dma_start3A_25 = arith.constant 0 : i32
      %dma_start3A_26 = arith.constant 0 : i32
      %dma_start3A_27 = tpu.memref_slice %arg4[%dma_start3A_25, %dma_start3A_26] : memref<3840x1024xf32, #tpu.memory_space<hbm>> -> memref<3840x1024xf32, #tpu.memory_space<hbm>>
      tpu.enqueue_indirect_dma source(%arg6 : memref<16x1024xf32, #tpu.memory_space<vmem>>) target(%dma_start3A_27 : memref<3840x1024xf32, #tpu.memory_space<hbm>>) offsets(%dma_start3A_24 : memref<16xi32, #tpu.memory_space<vmem>>) semaphore(%arg10 : memref<!tpu.dma_semaphore, #tpu.memory_space<semaphore_mem>>)
      %dma_wait3A_28 = arith.constant 0 : i32
      %dma_wait3A_29 = arith.constant 0 : i32
      %dma_wait3A_30 = tpu.memref_slice %arg5[%dma_wait3A_28, %dma_wait3A_29] : memref<8x16xi32, #tpu.memory_space<vmem>> -> memref<1x16xi32, #tpu.memory_space<vmem>>
      %dma_wait3A_31 = tpu.memref_squeeze %dma_wait3A_30 : memref<1x16xi32, #tpu.memory_space<vmem>> -> memref<16xi32, #tpu.memory_space<vmem>>
      %dma_wait3A_32 = arith.constant 0 : i32
      %dma_wait3A_33 = arith.constant 0 : i32
      %dma_wait3A_34 = tpu.memref_slice %arg4[%dma_wait3A_32, %dma_wait3A_33] : memref<3840x1024xf32, #tpu.memory_space<hbm>> -> memref<3840x1024xf32, #tpu.memory_space<hbm>>
      tpu.wait_indirect_dma semaphore(%arg10 : memref<!tpu.dma_semaphore, #tpu.memory_space<semaphore_mem>>) src(%arg6 : memref<16x1024xf32, #tpu.memory_space<vmem>>) dst(%dma_wait3A_34 : memref<3840x1024xf32, #tpu.memory_space<hbm>>)
      %add3A_35 = arith.constant 32 : i32
      %add3A_36 = arith.addi %mul3A_4, %add3A_35 : i32
      %dma_start3A_37 = arith.constant 0 : i32
      %dma_start3A_38 = tpu.memref_slice %arg2[%add3A_36, %dma_start3A_37] : memref<2048x1024xf32, #tpu.memory_space<hbm>> -> memref<16x1024xf32, #tpu.memory_space<hbm>>
      %dma_start3A_39 = arith.constant 0 : i32
      %dma_start3A_40 = tpu.memref_slice %arg2[%add3A_36, %dma_start3A_39] : memref<2048x1024xf32, #tpu.memory_space<hbm>> -> memref<16x1024xf32, #tpu.memory_space<hbm>>
      tpu.enqueue_dma source(%dma_start3A_40 : memref<16x1024xf32, #tpu.memory_space<hbm>>) target(%arg6 : memref<16x1024xf32, #tpu.memory_space<vmem>>) target_semaphore(%arg8 : memref<!tpu.dma_semaphore, #tpu.memory_space<semaphore_mem>>)
      %dma_wait3A_41 = arith.constant 0 : i32
      %dma_wait3A_42 = tpu.memref_slice %arg2[%add3A_13, %dma_wait3A_41] : memref<2048x1024xf32, #tpu.memory_space<hbm>> -> memref<16x1024xf32, #tpu.memory_space<hbm>>
      %dma_wait3A_43 = arith.constant 0 : i32
      %dma_wait3A_44 = tpu.memref_slice %arg2[%add3A_13, %dma_wait3A_43] : memref<2048x1024xf32, #tpu.memory_space<hbm>> -> memref<16x1024xf32, #tpu.memory_space<hbm>>
      tpu.wait_dma2 semaphore(%arg9 : memref<!tpu.dma_semaphore, #tpu.memory_space<semaphore_mem>>) src(%dma_wait3A_44 : memref<16x1024xf32, #tpu.memory_space<hbm>>) dst(%arg7 : memref<16x1024xf32, #tpu.memory_space<vmem>>)
      %dma_start3A_45 = arith.constant 1 : i32
      %dma_start3A_46 = arith.constant 0 : i32
      %dma_start3A_47 = tpu.memref_slice %arg5[%dma_start3A_45, %dma_start3A_46] : memref<8x16xi32, #tpu.memory_space<vmem>> -> memref<1x16xi32, #tpu.memory_space<vmem>>
      %dma_start3A_48 = tpu.memref_squeeze %dma_start3A_47 : memref<1x16xi32, #tpu.memory_space<vmem>> -> memref<16xi32, #tpu.memory_space<vmem>>
      %dma_start3A_49 = arith.constant 0 : i32
      %dma_start3A_50 = arith.constant 0 : i32
      %dma_start3A_51 = tpu.memref_slice %arg4[%dma_start3A_49, %dma_start3A_50] : memref<3840x1024xf32, #tpu.memory_space<hbm>> -> memref<3840x1024xf32, #tpu.memory_space<hbm>>
      tpu.enqueue_indirect_dma source(%arg7 : memref<16x1024xf32, #tpu.memory_space<vmem>>) target(%dma_start3A_51 : memref<3840x1024xf32, #tpu.memory_space<hbm>>) offsets(%dma_start3A_48 : memref<16xi32, #tpu.memory_space<vmem>>) semaphore(%arg11 : memref<!tpu.dma_semaphore, #tpu.memory_space<semaphore_mem>>)
      %dma_wait3A_52 = arith.constant 1 : i32
      %dma_wait3A_53 = arith.constant 0 : i32
      %dma_wait3A_54 = tpu.memref_slice %arg5[%dma_wait3A_52, %dma_wait3A_53] : memref<8x16xi32, #tpu.memory_space<vmem>> -> memref<1x16xi32, #tpu.memory_space<vmem>>
      %dma_wait3A_55 = tpu.memref_squeeze %dma_wait3A_54 : memref<1x16xi32, #tpu.memory_space<vmem>> -> memref<16xi32, #tpu.memory_space<vmem>>
      %dma_wait3A_56 = arith.constant 0 : i32
      %dma_wait3A_57 = arith.constant 0 : i32
      %dma_wait3A_58 = tpu.memref_slice %arg4[%dma_wait3A_56, %dma_wait3A_57] : memref<3840x1024xf32, #tpu.memory_space<hbm>> -> memref<3840x1024xf32, #tpu.memory_space<hbm>>
      tpu.wait_indirect_dma semaphore(%arg11 : memref<!tpu.dma_semaphore, #tpu.memory_space<semaphore_mem>>) src(%arg7 : memref<16x1024xf32, #tpu.memory_space<vmem>>) dst(%dma_wait3A_58 : memref<3840x1024xf32, #tpu.memory_space<hbm>>)
      %add3A_59 = arith.constant 48 : i32
      %add3A_60 = arith.addi %mul3A_4, %add3A_59 : i32
      %dma_start3A_61 = arith.constant 0 : i32
      %dma_start3A_62 = tpu.memref_slice %arg2[%add3A_60, %dma_start3A_61] : memref<2048x1024xf32, #tpu.memory_space<hbm>> -> memref<16x1024xf32, #tpu.memory_space<hbm>>
      %dma_start3A_63 = arith.constant 0 : i32
      %dma_start3A_64 = tpu.memref_slice %arg2[%add3A_60, %dma_start3A_63] : memref<2048x1024xf32, #tpu.memory_space<hbm>> -> memref<16x1024xf32, #tpu.memory_space<hbm>>
      tpu.enqueue_dma source(%dma_start3A_64 : memref<16x1024xf32, #tpu.memory_space<hbm>>) target(%arg7 : memref<16x1024xf32, #tpu.memory_space<vmem>>) target_semaphore(%arg9 : memref<!tpu.dma_semaphore, #tpu.memory_space<semaphore_mem>>)
      %dma_wait3A_65 = arith.constant 0 : i32
      %dma_wait3A_66 = tpu.memref_slice %arg2[%add3A_36, %dma_wait3A_65] : memref<2048x1024xf32, #tpu.memory_space<hbm>> -> memref<16x1024xf32, #tpu.memory_space<hbm>>
      %dma_wait3A_67 = arith.constant 0 : i32
      %dma_wait3A_68 = tpu.memref_slice %arg2[%add3A_36, %dma_wait3A_67] : memref<2048x1024xf32, #tpu.memory_space<hbm>> -> memref<16x1024xf32, #tpu.memory_space<hbm>>
      tpu.wait_dma2 semaphore(%arg8 : memref<!tpu.dma_semaphore, #tpu.memory_space<semaphore_mem>>) src(%dma_wait3A_68 : memref<16x1024xf32, #tpu.memory_space<hbm>>) dst(%arg6 : memref<16x1024xf32, #tpu.memory_space<vmem>>)
      %dma_start3A_69 = arith.constant 2 : i32
      %dma_start3A_70 = arith.constant 0 : i32
      %dma_start3A_71 = tpu.memref_slice %arg5[%dma_start3A_69, %dma_start3A_70] : memref<8x16xi32, #tpu.memory_space<vmem>> -> memref<1x16xi32, #tpu.memory_space<vmem>>
      %dma_start3A_72 = tpu.memref_squeeze %dma_start3A_71 : memref<1x16xi32, #tpu.memory_space<vmem>> -> memref<16xi32, #tpu.memory_space<vmem>>
      %dma_start3A_73 = arith.constant 0 : i32
      %dma_start3A_74 = arith.constant 0 : i32
      %dma_start3A_75 = tpu.memref_slice %arg4[%dma_start3A_73, %dma_start3A_74] : memref<3840x1024xf32, #tpu.memory_space<hbm>> -> memref<3840x1024xf32, #tpu.memory_space<hbm>>
      tpu.enqueue_indirect_dma source(%arg6 : memref<16x1024xf32, #tpu.memory_space<vmem>>) target(%dma_start3A_75 : memref<3840x1024xf32, #tpu.memory_space<hbm>>) offsets(%dma_start3A_72 : memref<16xi32, #tpu.memory_space<vmem>>) semaphore(%arg10 : memref<!tpu.dma_semaphore, #tpu.memory_space<semaphore_mem>>)
      %dma_wait3A_76 = arith.constant 0 : i32
      %dma_wait3A_77 = tpu.memref_slice %arg2[%add3A_60, %dma_wait3A_76] : memref<2048x1024xf32, #tpu.memory_space<hbm>> -> memref<16x1024xf32, #tpu.memory_space<hbm>>
      %dma_wait3A_78 = arith.constant 0 : i32
      %dma_wait3A_79 = tpu.memref_slice %arg2[%add3A_60, %dma_wait3A_78] : memref<2048x1024xf32, #tpu.memory_space<hbm>> -> memref<16x1024xf32, #tpu.memory_space<hbm>>
      tpu.wait_dma2 semaphore(%arg9 : memref<!tpu.dma_semaphore, #tpu.memory_space<semaphore_mem>>) src(%dma_wait3A_79 : memref<16x1024xf32, #tpu.memory_space<hbm>>) dst(%arg7 : memref<16x1024xf32, #tpu.memory_space<vmem>>)
      %dma_start3A_80 = arith.constant 3 : i32
      %dma_start3A_81 = arith.constant 0 : i32
      %dma_start3A_82 = tpu.memref_slice %arg5[%dma_start3A_80, %dma_start3A_81] : memref<8x16xi32, #tpu.memory_space<vmem>> -> memref<1x16xi32, #tpu.memory_space<vmem>>
      %dma_start3A_83 = tpu.memref_squeeze %dma_start3A_82 : memref<1x16xi32, #tpu.memory_space<vmem>> -> memref<16xi32, #tpu.memory_space<vmem>>
      %dma_start3A_84 = arith.constant 0 : i32
      %dma_start3A_85 = arith.constant 0 : i32
      %dma_start3A_86 = tpu.memref_slice %arg4[%dma_start3A_84, %dma_start3A_85] : memref<3840x1024xf32, #tpu.memory_space<hbm>> -> memref<3840x1024xf32, #tpu.memory_space<hbm>>
      tpu.enqueue_indirect_dma source(%arg7 : memref<16x1024xf32, #tpu.memory_space<vmem>>) target(%dma_start3A_86 : memref<3840x1024xf32, #tpu.memory_space<hbm>>) offsets(%dma_start3A_83 : memref<16xi32, #tpu.memory_space<vmem>>) semaphore(%arg11 : memref<!tpu.dma_semaphore, #tpu.memory_space<semaphore_mem>>)
      %dma_wait3A_87 = arith.constant 3 : i32
      %dma_wait3A_88 = arith.constant 0 : i32
      %dma_wait3A_89 = tpu.memref_slice %arg5[%dma_wait3A_87, %dma_wait3A_88] : memref<8x16xi32, #tpu.memory_space<vmem>> -> memref<1x16xi32, #tpu.memory_space<vmem>>
      %dma_wait3A_90 = tpu.memref_squeeze %dma_wait3A_89 : memref<1x16xi32, #tpu.memory_space<vmem>> -> memref<16xi32, #tpu.memory_space<vmem>>
      %dma_wait3A_91 = arith.constant 0 : i32
      %dma_wait3A_92 = arith.constant 0 : i32
      %dma_wait3A_93 = tpu.memref_slice %arg4[%dma_wait3A_91, %dma_wait3A_92] : memref<3840x1024xf32, #tpu.memory_space<hbm>> -> memref<3840x1024xf32, #tpu.memory_space<hbm>>
      tpu.wait_indirect_dma semaphore(%arg11 : memref<!tpu.dma_semaphore, #tpu.memory_space<semaphore_mem>>) src(%arg7 : memref<16x1024xf32, #tpu.memory_space<vmem>>) dst(%dma_wait3A_93 : memref<3840x1024xf32, #tpu.memory_space<hbm>>)
      %dma_wait3A_94 = arith.constant 2 : i32
      %dma_wait3A_95 = arith.constant 0 : i32
      %dma_wait3A_96 = tpu.memref_slice %arg5[%dma_wait3A_94, %dma_wait3A_95] : memref<8x16xi32, #tpu.memory_space<vmem>> -> memref<1x16xi32, #tpu.memory_space<vmem>>
      %dma_wait3A_97 = tpu.memref_squeeze %dma_wait3A_96 : memref<1x16xi32, #tpu.memory_space<vmem>> -> memref<16xi32, #tpu.memory_space<vmem>>
      %dma_wait3A_98 = arith.constant 0 : i32
      %dma_wait3A_99 = arith.constant 0 : i32
      %dma_wait3A_100 = tpu.memref_slice %arg4[%dma_wait3A_98, %dma_wait3A_99] : memref<3840x1024xf32, #tpu.memory_space<hbm>> -> memref<3840x1024xf32, #tpu.memory_space<hbm>>
      tpu.wait_indirect_dma semaphore(%arg10 : memref<!tpu.dma_semaphore, #tpu.memory_space<semaphore_mem>>) src(%arg6 : memref<16x1024xf32, #tpu.memory_space<vmem>>) dst(%dma_wait3A_100 : memref<3840x1024xf32, #tpu.memory_space<hbm>>)
    } else {
    }
    return
  }
}

module attributes {stable_mosaic.version = 14 : i64} {
  func.func @_router_body(%arg0: memref<2048x1024xf32, #tpu.memory_space<vmem>>, %arg1: memref<8x1024xf32, #tpu.memory_space<vmem>>, %arg2: memref<2048x1024xf32, #tpu.memory_space<vmem>>, %arg3: memref<2048x1xi32, #tpu.memory_space<vmem>>) attributes {dimension_semantics = [], scalar_prefetch = 0 : i64, scratch_operands = 0 : i64, tpu.core_type = #tpu.core_type<tc>} {
    %get3A = arith.constant 0 : index
    %get3A_0 = arith.constant 0 : index
    %get3A_1 = vector.load %arg0[%get3A, %get3A_0] : memref<2048x1024xf32, #tpu.memory_space<vmem>>, vector<2048x1024xf32>
    %get3A_2 = arith.constant 0 : index
    %get3A_3 = arith.constant 0 : index
    %get3A_4 = vector.load %arg1[%get3A_2, %get3A_3] : memref<8x1024xf32, #tpu.memory_space<vmem>>, vector<8x1024xf32>
    %dot_general3A = arith.constant dense<0.000000e+00> : vector<2048x8xf32>
    %dot_general3A_5 = tpu.matmul %get3A_1, %get3A_4, %dot_general3A {dimension_numbers = #tpu.dot_dimension_numbers<[1], [1], [0], [0], [0, 0, 1, 0], [], []>, transpose_lhs_hint = false} : vector<2048x1024xf32>, vector<8x1024xf32>, vector<2048x8xf32> -> vector<2048x8xf32>
    %reduce_max3A = arith.constant dense<0xFF800000> : vector<2048xf32>
    %reduce_max3A_6 = vector.multi_reduction <maximumf>, %dot_general3A_5, %reduce_max3A [1] : vector<2048x8xf32> to vector<2048xf32>
    %broadcast_in_dim3A = vector.shape_cast %reduce_max3A_6 : vector<2048xf32> to vector<2048x1xf32>
    %iota3A = tpu.iota {dimensions = array<i32: 1>} : vector<2048x8xi32>
    %eq3A = vector.broadcast %broadcast_in_dim3A : vector<2048x1xf32> to vector<2048x8xf32>
    %eq3A_7 = arith.cmpf oeq, %dot_general3A_5, %eq3A : vector<2048x8xf32>
    %jit3A = arith.constant 8 : i32
    %broadcast_in_dim3A_8 = vector.broadcast %jit3A : i32 to vector<2048x8xi32>
    %select_n3A = arith.select %eq3A_7, %iota3A, %broadcast_in_dim3A_8 : vector<2048x8xi1>, vector<2048x8xi32>
    %reduce_min3A = arith.constant dense<2147483647> : vector<2048xi32>
    %reduce_min3A_9 = vector.multi_reduction <minsi>, %select_n3A, %reduce_min3A [1] : vector<2048x8xi32> to vector<2048xi32>
    %broadcast_in_dim3A_10 = vector.shape_cast %reduce_min3A_9 : vector<2048xi32> to vector<2048x1xi32>
    %swap3A = arith.constant 0 : index
    %swap3A_11 = arith.constant 0 : index
    %swap3A_12 = vector.load %arg3[%swap3A, %swap3A_11] : memref<2048x1xi32, #tpu.memory_space<vmem>>, vector<2048x1xi32>
    tpu.vector_store %arg3[%swap3A, %swap3A_11], %broadcast_in_dim3A_10 {strides = array<i32>} : memref<2048x1xi32, #tpu.memory_space<vmem>>, vector<2048x1xi32>,
    %logistic3A = arith.negf %broadcast_in_dim3A : vector<2048x1xf32>
    %logistic3A_13 = math.exp %logistic3A : vector<2048x1xf32>
    %logistic3A_14 = arith.constant 1.000000e+00 : f32
    %logistic3A_15 = vector.broadcast %logistic3A_14 : f32 to vector<2048x1xf32>
    %logistic3A_16 = arith.addf %logistic3A_15, %logistic3A_13 : vector<2048x1xf32>
    %logistic3A_17 = arith.divf %logistic3A_15, %logistic3A_16 : vector<2048x1xf32>
    %mul3A = vector.broadcast %logistic3A_17 : vector<2048x1xf32> to vector<2048x1024xf32>
    %mul3A_18 = arith.mulf %get3A_1, %mul3A : vector<2048x1024xf32>
    %swap3A_19 = arith.constant 0 : index
    %swap3A_20 = arith.constant 0 : index
    %swap3A_21 = vector.load %arg2[%swap3A_19, %swap3A_20] : memref<2048x1024xf32, #tpu.memory_space<vmem>>, vector<2048x1024xf32>
    tpu.vector_store %arg2[%swap3A_19, %swap3A_20], %mul3A_18 {strides = array<i32>} : memref<2048x1024xf32, #tpu.memory_space<vmem>>, vector<2048x1024xf32>,
    return
  }
}

module attributes {stable_mosaic.version = 14 : i64} {
  func.func @_routed_ffn_body(%arg0: i32, %arg1: memref<15xi32, #tpu.memory_space<smem>>, %arg2: memref<256x1024xf32, #tpu.memory_space<vmem>>, %arg3: memref<1x1024x1024xf32, #tpu.memory_space<vmem>>, %arg4: memref<1x1024x1024xf32, #tpu.memory_space<vmem>>, %arg5: memref<1x1024x1024xf32, #tpu.memory_space<vmem>>, %arg6: memref<256x1024xf32, #tpu.memory_space<vmem>>) attributes {dimension_semantics = [#tpu.dimension_semantics<arbitrary>], iteration_bounds = array<i64: 15>, scalar_prefetch = 1 : i64, scratch_operands = 0 : i64, tpu.core_type = #tpu.core_type<tc>, window_params = [{transform_indices = @transform_0, window_bounds = array<i64: 256, 1024>}, {transform_indices = @transform_1, window_bounds = array<i64: 1, 1024, 1024>}, {transform_indices = @transform_2, window_bounds = array<i64: 1, 1024, 1024>}, {transform_indices = @transform_3, window_bounds = array<i64: 1, 1024, 1024>}, {transform_indices = @transform_4, window_bounds = array<i64: 256, 1024>}]} {
    %get3A = arith.constant 0 : index
    %get3A_0 = arith.constant 0 : index
    %get3A_1 = vector.load %arg2[%get3A, %get3A_0] : memref<256x1024xf32, #tpu.memory_space<vmem>>, vector<256x1024xf32>
    %convert_element_type3A = arith.truncf %get3A_1 : vector<256x1024xf32> to vector<256x1024xbf16>
    %get3A_2 = arith.constant 0 : index
    %get3A_3 = arith.constant 0 : index
    %get3A_4 = arith.constant 0 : index
    %get3A_5 = vector.load %arg3[%get3A_2, %get3A_3, %get3A_4] : memref<1x1024x1024xf32, #tpu.memory_space<vmem>>, vector<1x1024x1024xf32>
    %get3A_6 = vector.shape_cast %get3A_5 : vector<1x1024x1024xf32> to vector<1024x1024xf32>
    %convert_element_type3A_7 = arith.truncf %get3A_6 : vector<1024x1024xf32> to vector<1024x1024xbf16>
    %get3A_8 = arith.constant 0 : index
    %get3A_9 = arith.constant 0 : index
    %get3A_10 = arith.constant 0 : index
    %get3A_11 = vector.load %arg4[%get3A_8, %get3A_9, %get3A_10] : memref<1x1024x1024xf32, #tpu.memory_space<vmem>>, vector<1x1024x1024xf32>
    %get3A_12 = vector.shape_cast %get3A_11 : vector<1x1024x1024xf32> to vector<1024x1024xf32>
    %convert_element_type3A_13 = arith.truncf %get3A_12 : vector<1024x1024xf32> to vector<1024x1024xbf16>
    %get3A_14 = arith.constant 0 : index
    %get3A_15 = arith.constant 0 : index
    %get3A_16 = arith.constant 0 : index
    %get3A_17 = vector.load %arg5[%get3A_14, %get3A_15, %get3A_16] : memref<1x1024x1024xf32, #tpu.memory_space<vmem>>, vector<1x1024x1024xf32>
    %get3A_18 = vector.shape_cast %get3A_17 : vector<1x1024x1024xf32> to vector<1024x1024xf32>
    %convert_element_type3A_19 = arith.truncf %get3A_18 : vector<1024x1024xf32> to vector<1024x1024xbf16>
    %dot_general3A = arith.constant dense<0.000000e+00> : vector<256x1024xf32>
    %dot_general3A_20 = tpu.matmul %convert_element_type3A, %convert_element_type3A_7, %dot_general3A {dimension_numbers = #tpu.dot_dimension_numbers<[1], [1], [0], [0], [0, 0, 1, 0], [], []>, transpose_lhs_hint = false} : vector<256x1024xbf16>, vector<1024x1024xbf16>, vector<256x1024xf32> -> vector<256x1024xf32>
    %dot_general3A_21 = arith.constant dense<0.000000e+00> : vector<256x1024xf32>
    %dot_general3A_22 = tpu.matmul %convert_element_type3A, %convert_element_type3A_13, %dot_general3A_21 {dimension_numbers = #tpu.dot_dimension_numbers<[1], [1], [0], [0], [0, 0, 1, 0], [], []>, transpose_lhs_hint = false} : vector<256x1024xbf16>, vector<1024x1024xbf16>, vector<256x1024xf32> -> vector<256x1024xf32>
    %logistic3A = arith.negf %dot_general3A_20 : vector<256x1024xf32>
    %logistic3A_23 = math.exp %logistic3A : vector<256x1024xf32>
    %logistic3A_24 = arith.constant 1.000000e+00 : f32
    %logistic3A_25 = vector.broadcast %logistic3A_24 : f32 to vector<256x1024xf32>
    %logistic3A_26 = arith.addf %logistic3A_25, %logistic3A_23 : vector<256x1024xf32>
    %logistic3A_27 = arith.divf %logistic3A_25, %logistic3A_26 : vector<256x1024xf32>
    %mul3A = arith.mulf %dot_general3A_20, %logistic3A_27 : vector<256x1024xf32>
    %mul3A_28 = arith.mulf %mul3A, %dot_general3A_22 : vector<256x1024xf32>
    %convert_element_type3A_29 = arith.truncf %mul3A_28 : vector<256x1024xf32> to vector<256x1024xbf16>
    %dot_general3A_30 = arith.constant dense<0.000000e+00> : vector<256x1024xf32>
    %dot_general3A_31 = tpu.matmul %convert_element_type3A_29, %convert_element_type3A_19, %dot_general3A_30 {dimension_numbers = #tpu.dot_dimension_numbers<[1], [1], [0], [0], [0, 0, 1, 0], [], []>, transpose_lhs_hint = false} : vector<256x1024xbf16>, vector<1024x1024xbf16>, vector<256x1024xf32> -> vector<256x1024xf32>
    %swap3A = arith.constant 0 : index
    %swap3A_32 = arith.constant 0 : index
    %swap3A_33 = vector.load %arg6[%swap3A, %swap3A_32] : memref<256x1024xf32, #tpu.memory_space<vmem>>, vector<256x1024xf32>
    tpu.vector_store %arg6[%swap3A, %swap3A_32], %dot_general3A_31 {strides = array<i32>} : memref<256x1024xf32, #tpu.memory_space<vmem>>, vector<256x1024xf32>,
    return
  }
  func.func @transform_0(%arg0: i32, %arg1: memref<15xi32, #tpu.memory_space<smem>>) -> (i32, i32) {
    %c0_i32 = arith.constant 0 : i32
    %c0_i32_0 = arith.constant 0 : i32
    return %arg0, %c0_i32 : i32, i32
  }
  func.func @transform_1(%arg0: i32, %arg1: memref<15xi32, #tpu.memory_space<smem>>) -> (i32, i32, i32) {
    %get3A = arith.index_cast %arg0 : i32 to index
    %get3A_0 = memref.load %arg1[%get3A] : memref<15xi32, #tpu.memory_space<smem>>
    %c0_i32 = arith.constant 0 : i32
    %c0_i32_1 = arith.constant 0 : i32
    %c0_i32_2 = arith.constant 0 : i32
    return %get3A_0, %c0_i32, %c0_i32_1 : i32, i32, i32
  }
  func.func @transform_2(%arg0: i32, %arg1: memref<15xi32, #tpu.memory_space<smem>>) -> (i32, i32, i32) {
    %get3A = arith.index_cast %arg0 : i32 to index
    %get3A_0 = memref.load %arg1[%get3A] : memref<15xi32, #tpu.memory_space<smem>>
    %c0_i32 = arith.constant 0 : i32
    %c0_i32_1 = arith.constant 0 : i32
    %c0_i32_2 = arith.constant 0 : i32
    return %get3A_0, %c0_i32, %c0_i32_1 : i32, i32, i32
  }
  func.func @transform_3(%arg0: i32, %arg1: memref<15xi32, #tpu.memory_space<smem>>) -> (i32, i32, i32) {
    %get3A = arith.index_cast %arg0 : i32 to index
    %get3A_0 = memref.load %arg1[%get3A] : memref<15xi32, #tpu.memory_space<smem>>
    %c0_i32 = arith.constant 0 : i32
    %c0_i32_1 = arith.constant 0 : i32
    %c0_i32_2 = arith.constant 0 : i32
    return %get3A_0, %c0_i32, %c0_i32_1 : i32, i32, i32
  }
  func.func @transform_4(%arg0: i32, %arg1: memref<15xi32, #tpu.memory_space<smem>>) -> (i32, i32) {
    %c0_i32 = arith.constant 0 : i32
    %c0_i32_0 = arith.constant 0 : i32
    return %arg0, %c0_i32 : i32, i32
  }
}

module attributes {stable_mosaic.version = 14 : i64} {
  func.func @_shared_ffn_body(%arg0: i32, %arg1: memref<256x1024xf32, #tpu.memory_space<vmem>>, %arg2: memref<1024x1024xf32, #tpu.memory_space<vmem>>, %arg3: memref<1024x1024xf32, #tpu.memory_space<vmem>>, %arg4: memref<1024x1024xf32, #tpu.memory_space<vmem>>, %arg5: memref<256x1024xf32, #tpu.memory_space<vmem>>) attributes {dimension_semantics = [#tpu.dimension_semantics<arbitrary>], iteration_bounds = array<i64: 8>, scalar_prefetch = 0 : i64, scratch_operands = 0 : i64, tpu.core_type = #tpu.core_type<tc>, window_params = [{transform_indices = @transform_0, window_bounds = array<i64: 256, 1024>}, {pipeline_mode = #tpu.pipeline_mode<synchronous>, transform_indices = @transform_1, window_bounds = array<i64: 1024, 1024>}, {pipeline_mode = #tpu.pipeline_mode<synchronous>, transform_indices = @transform_2, window_bounds = array<i64: 1024, 1024>}, {pipeline_mode = #tpu.pipeline_mode<synchronous>, transform_indices = @transform_3, window_bounds = array<i64: 1024, 1024>}, {transform_indices = @transform_4, window_bounds = array<i64: 256, 1024>}]} {
    %get3A = arith.constant 0 : index
    %get3A_0 = arith.constant 0 : index
    %get3A_1 = vector.load %arg1[%get3A, %get3A_0] : memref<256x1024xf32, #tpu.memory_space<vmem>>, vector<256x1024xf32>
    %convert_element_type3A = arith.truncf %get3A_1 : vector<256x1024xf32> to vector<256x1024xbf16>
    %get3A_2 = arith.constant 0 : index
    %get3A_3 = arith.constant 0 : index
    %get3A_4 = vector.load %arg2[%get3A_2, %get3A_3] : memref<1024x1024xf32, #tpu.memory_space<vmem>>, vector<1024x1024xf32>
    %convert_element_type3A_5 = arith.truncf %get3A_4 : vector<1024x1024xf32> to vector<1024x1024xbf16>
    %get3A_6 = arith.constant 0 : index
    %get3A_7 = arith.constant 0 : index
    %get3A_8 = vector.load %arg3[%get3A_6, %get3A_7] : memref<1024x1024xf32, #tpu.memory_space<vmem>>, vector<1024x1024xf32>
    %convert_element_type3A_9 = arith.truncf %get3A_8 : vector<1024x1024xf32> to vector<1024x1024xbf16>
    %get3A_10 = arith.constant 0 : index
    %get3A_11 = arith.constant 0 : index
    %get3A_12 = vector.load %arg4[%get3A_10, %get3A_11] : memref<1024x1024xf32, #tpu.memory_space<vmem>>, vector<1024x1024xf32>
    %convert_element_type3A_13 = arith.truncf %get3A_12 : vector<1024x1024xf32> to vector<1024x1024xbf16>
    %dot_general3A = arith.constant dense<0.000000e+00> : vector<256x1024xf32>
    %dot_general3A_14 = tpu.matmul %convert_element_type3A, %convert_element_type3A_5, %dot_general3A {dimension_numbers = #tpu.dot_dimension_numbers<[1], [1], [0], [0], [0, 0, 1, 0], [], []>, transpose_lhs_hint = false} : vector<256x1024xbf16>, vector<1024x1024xbf16>, vector<256x1024xf32> -> vector<256x1024xf32>
    %dot_general3A_15 = arith.constant dense<0.000000e+00> : vector<256x1024xf32>
    %dot_general3A_16 = tpu.matmul %convert_element_type3A, %convert_element_type3A_9, %dot_general3A_15 {dimension_numbers = #tpu.dot_dimension_numbers<[1], [1], [0], [0], [0, 0, 1, 0], [], []>, transpose_lhs_hint = false} : vector<256x1024xbf16>, vector<1024x1024xbf16>, vector<256x1024xf32> -> vector<256x1024xf32>
    %logistic3A = arith.negf %dot_general3A_14 : vector<256x1024xf32>
    %logistic3A_17 = math.exp %logistic3A : vector<256x1024xf32>
    %logistic3A_18 = arith.constant 1.000000e+00 : f32
    %logistic3A_19 = vector.broadcast %logistic3A_18 : f32 to vector<256x1024xf32>
    %logistic3A_20 = arith.addf %logistic3A_19, %logistic3A_17 : vector<256x1024xf32>
    %logistic3A_21 = arith.divf %logistic3A_19, %logistic3A_20 : vector<256x1024xf32>
    %mul3A = arith.mulf %dot_general3A_14, %logistic3A_21 : vector<256x1024xf32>
    %mul3A_22 = arith.mulf %mul3A, %dot_general3A_16 : vector<256x1024xf32>
    %convert_element_type3A_23 = arith.truncf %mul3A_22 : vector<256x1024xf32> to vector<256x1024xbf16>
    %dot_general3A_24 = arith.constant dense<0.000000e+00> : vector<256x1024xf32>
    %dot_general3A_25 = tpu.matmul %convert_element_type3A_23, %convert_element_type3A_13, %dot_general3A_24 {dimension_numbers = #tpu.dot_dimension_numbers<[1], [1], [0], [0], [0, 0, 1, 0], [], []>, transpose_lhs_hint = false} : vector<256x1024xbf16>, vector<1024x1024xbf16>, vector<256x1024xf32> -> vector<256x1024xf32>
    %swap3A = arith.constant 0 : index
    %swap3A_26 = arith.constant 0 : index
    %swap3A_27 = vector.load %arg5[%swap3A, %swap3A_26] : memref<256x1024xf32, #tpu.memory_space<vmem>>, vector<256x1024xf32>
    tpu.vector_store %arg5[%swap3A, %swap3A_26], %dot_general3A_25 {strides = array<i32>} : memref<256x1024xf32, #tpu.memory_space<vmem>>, vector<256x1024xf32>,
    return
  }
  func.func @transform_0(%arg0: i32) -> (i32, i32) {
    %c0_i32 = arith.constant 0 : i32
    %c0_i32_0 = arith.constant 0 : i32
    return %arg0, %c0_i32 : i32, i32
  }
  func.func @transform_1(%arg0: i32) -> (i32, i32) {
    %c0_i32 = arith.constant 0 : i32
    %c0_i32_0 = arith.constant 0 : i32
    %c0_i32_1 = arith.constant 0 : i32
    return %c0_i32, %c0_i32_0 : i32, i32
  }
  func.func @transform_2(%arg0: i32) -> (i32, i32) {
    %c0_i32 = arith.constant 0 : i32
    %c0_i32_0 = arith.constant 0 : i32
    %c0_i32_1 = arith.constant 0 : i32
    return %c0_i32, %c0_i32_0 : i32, i32
  }
  func.func @transform_3(%arg0: i32) -> (i32, i32) {
    %c0_i32 = arith.constant 0 : i32
    %c0_i32_0 = arith.constant 0 : i32
    %c0_i32_1 = arith.constant 0 : i32
    return %c0_i32, %c0_i32_0 : i32, i32
  }
  func.func @transform_4(%arg0: i32) -> (i32, i32) {
    %c0_i32 = arith.constant 0 : i32
    %c0_i32_0 = arith.constant 0 : i32
    return %arg0, %c0_i32 : i32, i32
  }
}

module attributes {stable_mosaic.version = 14 : i64} {
  func.func @_add_body(%arg0: i32, %arg1: memref<256x1024xf32, #tpu.memory_space<vmem>>, %arg2: memref<256x1024xf32, #tpu.memory_space<vmem>>, %arg3: memref<256x1024xf32, #tpu.memory_space<vmem>>) attributes {dimension_semantics = [#tpu.dimension_semantics<arbitrary>], iteration_bounds = array<i64: 8>, scalar_prefetch = 0 : i64, scratch_operands = 0 : i64, tpu.core_type = #tpu.core_type<tc>, window_params = [{transform_indices = @transform_0, window_bounds = array<i64: 256, 1024>}, {transform_indices = @transform_1, window_bounds = array<i64: 256, 1024>}, {transform_indices = @transform_2, window_bounds = array<i64: 256, 1024>}]} {
    %get3A = arith.constant 0 : index
    %get3A_0 = arith.constant 0 : index
    %get3A_1 = vector.load %arg1[%get3A, %get3A_0] : memref<256x1024xf32, #tpu.memory_space<vmem>>, vector<256x1024xf32>
    %get3A_2 = arith.constant 0 : index
    %get3A_3 = arith.constant 0 : index
    %get3A_4 = vector.load %arg2[%get3A_2, %get3A_3] : memref<256x1024xf32, #tpu.memory_space<vmem>>, vector<256x1024xf32>
    %add3A = arith.addf %get3A_1, %get3A_4 : vector<256x1024xf32>
    %swap3A = arith.constant 0 : index
    %swap3A_5 = arith.constant 0 : index
    %swap3A_6 = vector.load %arg3[%swap3A, %swap3A_5] : memref<256x1024xf32, #tpu.memory_space<vmem>>, vector<256x1024xf32>
    tpu.vector_store %arg3[%swap3A, %swap3A_5], %add3A {strides = array<i32>} : memref<256x1024xf32, #tpu.memory_space<vmem>>, vector<256x1024xf32>,
    return
  }
  func.func @transform_0(%arg0: i32) -> (i32, i32) {
    %c0_i32 = arith.constant 0 : i32
    %c0_i32_0 = arith.constant 0 : i32
    return %arg0, %c0_i32 : i32, i32
  }
  func.func @transform_1(%arg0: i32) -> (i32, i32) {
    %c0_i32 = arith.constant 0 : i32
    %c0_i32_0 = arith.constant 0 : i32
    return %arg0, %c0_i32 : i32, i32
  }
  func.func @transform_2(%arg0: i32) -> (i32, i32) {
    %c0_i32 = arith.constant 0 : i32
    %c0_i32_0 = arith.constant 0 : i32
    return %arg0, %c0_i32 : i32, i32
  }
}

</mosaic_0001>

<sc_bundles>
// kernel: kernel.11.cloned.1.call-start
scs
__scs_entry_jumppad:
0x0: {  	(pc) =	sbr.rel $0x88, $3  }
0x1: {  	(tag) =	ssettag $0x0;
	lr =	simm.s32 $0x1  }
0x2: {  	[smem:$0x3F99] =	sst lr;
	_ =	strace $0xD0000000  }
0x3: {  	_ = 	snop  }
0x4: {  	_ = 	snop  }
0x5: {  	_ = 	snop  }
0x6: {  	_ = 	snop  }
0x7: {  	_ = 	snop  }
__scs_overlays_trampoline_lowered:
0x8: {  	[smem:$0x3FA8] =	sst s0  }
0x9: {  	[smem:$0x3FA9] =	sst s1  }
0xa: {  	[smem:$0x3FAA] =	sst s2  }
0xb: {  	[smem:$0x3FAB] =	sst s3  }
0xc: {  	[smem:$0x3FAC] =	sst s4  }
0xd: {  	[smem:$0x3FAD] =	sst s5  }
0xe: {  	[smem:$0x3FAE] =	sst s6  }
0xf: {  	[smem:$0x3FAF] =	sst s7  }
0x10: {  	[smem:$0x3FB0] =	sst s8  }
0x11: {  	[smem:$0x3FB1] =	sst s9;
	s0 =	simm.s32 @!p0 $0x0  }
0x12: {  	s1 =	sld [smem:$0x3F97];
	s0 =	simm.s32 @p0 $0x1  }
0x13: {  	[smem:$0x3FB2] =	sst s0;
	s0 =	simm.s32 @!p1 $0x0  }
0x14: {  	s2 =	sld [smem:$0x3F96];
	s0 =	simm.s32 @p1 $0x1  }
0x15: {  	[smem:$0x3FB3] =	sst s0;
	s0 =	simm.s32 @!p2 $0x0  }
0x16: {  	s3 =	sld [smem:$0x3FDB];
	s0 =	simm.s32 @p2 $0x1  }
0x17: {  	s4 =	simm.s32 $0x1BF5;
	[smem:$0x3FB5] =	sst s0  }
0x18: {  	s0 =	sld [smem:$0x3F98];
	_ =	swait.ge [sflag:s4], $0x0  }
0x19: {  	s7 =	sld [smem:$0x3F99]  }
0x1a: {  	s8 =	sadd.s32 $0xFFFFE003, lr  }
0x1b: {  	s9 =	sadd.s32 $0xFFFFFEF7, lr;
	s5 =	simm.s32 $0xFFFFFFFF;
	p2 =	slt.u32 s8, $0xFFFFF086  }
0x1c: {  	p1 =	slt.u32 s9, $0xF7A;
	s5 =	simm.s32 @!p2 $0x0  }
0x1d: {  	s5 =	simm.s32 @p1 $0x1;
	p0 =	seq.s32 s7, s2  }
0x1e: {  	s7 =	smul.u32 @!p0 $0xF7A, s2;
	p2 =	seq.s32 @!p0 s5, $0x0  }
0x1f: {  	s9 =	smul.u32 $0xF7A, s1;
	s8 =	simm.s32 @!p0 $0x1BF5;
	p2 =	por !p2, p0  }
0x20: {  	[sflag:s8] =	ssyncset.s32 @!p0 $0xFFFFF086;
	s6 =	sadd.s32 @!p0 s3, s7;
	s7 =	simm.s32 @!p0 $0x108  }
0x21: {  	s3 =	sadd.s32 s3, s9;
	s6 =	sadd.s32 @!p0 $0x88, s6;
	s7 =	simm.s32 @p2 $0x1082  }
0x22: {  	[simem:s7], [sflag:s8] =	dma.local @!p0 [hbm:s6], $0xF7A  }
0x23: {  	s9 =	sor.u32 $0xD0000000, s2;
	s6 =	simm.s32 $0x108;
	_ =	swait.ge @!p0 [sflag:s8], $0x0  }
0x24: {  	s3 =	sadd.s32 $0x88, s3;
	s6 =	simm.s32 @!p1 $0x1082;
	[sflag:s4] =	ssyncset.s32 $0xFFFFF086  }
0x25: {  	[simem:s6], [sflag:s4] =	dma.local [hbm:s3], $0xF7A  }
0x26: {  	[smem:$0x3F99] =	sst s1;
	(tag) =	ssettag s2;
	_ =	strace s9  }
0x27: {  	s1 =	sld [smem:$0x3FA9]  }
0x28: {  	s2 =	sld [smem:$0x3FAA]  }
0x29: {  	s4 =	sld [smem:$0x3FAC]  }
0x2a: {  	p0 =	seq.s32 s5, $0x0;
	s5 =	sld [smem:$0x3FAD]  }
0x2b: {  	s6 =	sld [smem:$0x3FAE]  }
0x2c: {  	s7 =	sld [smem:$0x3FAF]  }
0x2d: {  	s3 =	simm.s32 $0x108;
	s8 =	sld [smem:$0x3FB0]  }
0x2e: {  	s3 =	simm.s32 @!p0 $0x1082;
	s9 =	sld [smem:$0x3FB1]  }
0x2f: {  	lr =	sadd.s32 s0, s3;
	s0 =	sld [smem:$0x3FA8]  }
0x30: {  	s3 =	sld [smem:$0x3FAB]  }
0x31: {  	[smem:$0x3FB4] =	sst s10  }
0x32: {  	s10 =	sld [smem:$0x3FB2];
	_ =	sdelay $0x3  }
0x33: {  	p0 =	seq.s32 s10, $0x1;
	s10 =	sld [smem:$0x3FB4];
	_ =	sdelay $0x3  }
0x34: {  	[smem:$0x3FB4] =	sst s10  }
0x35: {  	s10 =	sld [smem:$0x3FB3];
	_ =	sdelay $0x3  }
0x36: {  	p1 =	seq.s32 s10, $0x1;
	s10 =	sld [smem:$0x3FB4];
	_ =	sdelay $0x3  }
0x37: {  	[smem:$0x3FB4] =	sst s10  }
0x38: {  	s10 =	sld [smem:$0x3FB5]  }
0x39: {  	_ = 	snop;
	(pc) =	sbr.ind lr, $3  }
0x3a: {  	_ = 	snop  }
0x3b: {  	_ = 	snop  }
0x3c: {  	p2 =	seq.s32 s10, $0x1;
	s10 =	sld [smem:$0x3FB4]  }
0x3d: {  	_ =	shalt  }
0x3e: {  	_ =	shalt  }
0x3f: {  	_ =	shalt  }
0x40: {  	_ =	shalt  }
0x41: {  	_ =	shalt  }
0x42: {  	_ =	shalt  }
0x43: {  	_ =	shalt  }
0x44: {  	_ =	shalt  }
0x45: {  	_ =	shalt  }
0x46: {  	_ =	shalt  }
0x47: {  	_ =	shalt  }
0x48: {  	_ =	shalt  }
0x49: {  	_ =	shalt  }
0x4a: {  	_ =	shalt  }
0x4b: {  	_ =	shalt  }
0x4c: {  	_ =	shalt  }
0x4d: {  	_ =	shalt  }
0x4e: {  	_ =	shalt  }
0x4f: {  	_ =	shalt  }
0x50: {  	_ =	shalt  }
0x51: {  	_ =	shalt  }
0x52: {  	_ =	shalt  }
0x53: {  	_ =	shalt  }
0x54: {  	_ =	shalt  }
0x55: {  	_ =	shalt  }
0x56: {  	_ =	shalt  }
0x57: {  	_ =	shalt  }
0x58: {  	_ =	shalt  }
0x59: {  	_ =	shalt  }
0x5a: {  	_ =	shalt  }
0x5b: {  	_ =	shalt  }
0x5c: {  	_ =	shalt  }
0x5d: {  	_ =	shalt  }
0x5e: {  	_ =	shalt  }
0x5f: {  	_ =	shalt  }
0x60: {  	_ =	shalt  }
0x61: {  	_ =	shalt  }
0x62: {  	_ =	shalt  }
0x63: {  	_ =	shalt  }
0x64: {  	_ =	shalt  }
0x65: {  	_ =	shalt  }
0x66: {  	_ =	shalt  }
0x67: {  	_ =	shalt  }
0x68: {  	_ =	shalt  }
0x69: {  	_ =	shalt  }
0x6a: {  	_ =	shalt  }
0x6b: {  	_ =	shalt  }
0x6c: {  	_ =	shalt  }
0x6d: {  	_ =	shalt  }
0x6e: {  	_ =	shalt  }
0x6f: {  	_ =	shalt  }
0x70: {  	_ =	shalt  }
0x71: {  	_ =	shalt  }
0x72: {  	_ =	shalt  }
0x73: {  	_ =	shalt  }
0x74: {  	_ =	shalt  }
0x75: {  	_ =	shalt  }
0x76: {  	_ =	shalt  }
0x77: {  	_ =	shalt  }
0x78: {  	_ =	shalt  }
0x79: {  	_ =	shalt  }
0x7a: {  	_ =	shalt  }
0x7b: {  	_ =	shalt  }
0x7c: {  	_ =	shalt  }
0x7d: {  	_ =	shalt  }
0x7e: {  	_ =	shalt  }
0x7f: {  	_ =	shalt  }
0x80: {  	_ =	shalt  }
0x81: {  	_ =	shalt  }
0x82: {  	_ =	shalt  }
0x83: {  	_ =	shalt  }
0x84: {  	_ =	shalt  }
0x85: {  	_ =	shalt  }
0x86: {  	_ =	shalt  }
0x87: {  	_ =	shalt  }
.Lfunc_end0:
.L_simem_size_0:
called_computation.1_lowered:
.L_overlay_start_0:
0x88: {  	s2 =	sld [smem:$0x3FD9]  }
0x89: {  	s3 =	sld [smem:$0x3FFE];
	_ =	sdelay $0x1  }
0x8a: {  	s1 =	srdreg.scid  }
0x8b: {  	s0 =	sand.u32 $0x1, s1  }
0x8c: {  	s17 =	sshll.u32 s0, $0xA;
	s2 =	sadd.s32 s3, s2  }
0x8d: {  	s2 =	sadd.s32 s2, s17  }
0x8e: {  	[smem:$0x3FC0] =	sst s2  }
0x8f: {  	_ = 	snop  }
0x90: {  	s2 =	sld [smem:$0x3FD0];
	(tm) =	ssettm $0x1  }
0x91: {  	s18 =	sld [smem:$0x3FFB];
	_ =	sdelay $0x3  }
0x92: {  	_ =	strace s18  }
0x93: {  	s3 =	sld [smem:$0x3FFC];
	_ =	sdelay $0x3  }
0x94: {  	_ =	strace s3  }
0x95: {  	s3 =	sld [smem:$0x3FFD];
	_ =	sdelay $0x3  }
0x96: {  	_ =	strace s3  }
0x97: {  	_ =	strace $0x8FFFFFFF  }
0x98: {  	s19 =	sld [smem:$0x3FDB];
	_ =	sdelay $0x1  }
0x99: {  	s4 =	simm.s32 $_scs_section_size  }
0x9a: {  	s5 =	simm.s32 $_size__tile_overlayer_lowered;
	s6 =	simm.s32 $_tile_overlayer_lowered  }
0x9b: {  	s22 =	simm.s32 $0x1BFF;
	s21 =	sshll.u32 s6, $0x1;
	s3 =	sadd.s32 s4, s19  }
0x9c: {  	s7 =	simm.s32 $0x0;
	s20 =	sshll.u32 s5, $0x1;
	s5 =	sadd.s32 s21, s3  }
0x9d: {  	[timem:s7], [sflag:s22] =	dma.local [hbm:s5], s20  }
0x9e: {  	_ =	swait.ge [sflag:s22], s20  }
0x9f: {  	s4 =	ssub.s32 $0x0, s20;
	[sflag:s22] =	ssyncset.done $0x0  }
0xa0: {  	[sflag:s22] =	ssyncadd.s32 s4;
	_ =	sdelay $0x1  }
0xa1: {  	s23 =	simm.s32 $0x1B8B  }
0xa2: {  	_ =	swait.ge [sflag:s23], $0x1  }
0xa3: {  	[sflag:s23] =	ssyncset.done $0x0  }
0xa4: {  	s25 =	simm.s32 $0x1B8E;
	s24 =	sld [smem:$0x3FFE];
	[sflag:s23] =	ssyncadd.s32 $0xFFFFFFFF  }
0xa5: {  	s26 =	simm.s32 $execute0_lowered;
	[smem:$0x3FD2] =	sst s25  }
0xa6: {  	s5 =	sshll.u32 s26, $0x1;
	_ =	strace $0x80000049;
	[dreg:$0x1] =	wrdreg $0xFFFFFFFF  }
0xa7: {  	s28 =	simm.s32 $_size_execute0_lowered;
	s3 =	sadd.s32 s3, s5;
	[dreg:$0x0] =	wrdreg $0x0  }
0xa8: {  	s5 =	sshll.u32 s28, $0x1;
	[dreg:$0x2] =	wrdreg s3  }
0xa9: {  	[dreg:$0x3] =	wrdreg s5  }
0xaa: {  	[dreg:$0x4] =	wrdreg $0xC0  }
0xab: {  	_ =	task [dreg:s7], $0x5FFFF  }
0xac: {  	[dreg:$0x1] =	wrdreg $0xFFFFFFFF  }
0xad: {  	[dreg:$0x0] =	wrdreg $0x60  }
0xae: {  	[dreg:$0x2] =	wrdreg s24  }
0xaf: {  	[dreg:$0x3] =	wrdreg s2  }
0xb0: {  	[dreg:$0x4] =	wrdreg $0x9  }
0xb1: {  	_ =	task.clear_ibuf [dreg:s7], $0x5FFFF;
	_ =	strace $0x90000049  }
0xb2: {  	s29 =	simm.s32 $0x9;
	_ =	strace $0x8000004B  }
0xb3: {  	_ =	swait.ge [sflag:s29], $0x1  }
0xb4: {  	[sflag:s29] =	ssyncadd.s32 $0xFFFFFFFF  }
0xb5: {  	_ =	strace $0x9000004B  }
0xb6: {  	_ =	sfence  }
0xb7: {  	s30 =	sld [smem:$0x0];
	_ =	sdelay $0x2  }
0xb8: {  	s31 =	sshll.u32 s1, $0xD;
	s1 =	sshrl.u32 s1, $0x2  }
0xb9: {  	s3 =	sand.u32 $0x4000, s31;
	s1 =	sadd.s32 s1, s30  }
0xba: {  	s0 =	sor.u32 s3, s0;
	s1 =	sshll.u32 s1, $0x11  }
0xbb: {  	s0 =	sor.u32 s1, s0  }
0xbc: {  	s0 =	sadd.s32 $0x8F2B, s0  }
0xbd: {  	[sflag:s0] =	ssyncadd.remote.s32 $0x1  }
0xbe: {  	_ =	sfence.sel $0xFFFF  }
0xbf: {  	[dreg:$0x0] =	wrdreg $0xFFFFFFFF;
	(pc) =	sbr.abs _section_cstart, $3  }
0xc0: {  	[dreg:$0x1] =	wrdreg $0xFFFFFFFF  }
0xc1: {  	_ =	task.clear_ibuf [dreg:s7], $0x2FFFF;
	_ =	strace $0x9FFFFFFF  }
0xc2: {  	(tm) =	ssettm $0x7FFFFFFF  }
0xc3: {  	_ =	shalt  }
tec
execute0_lowered:
.L_overlay_start_1:
0x0: {  	(tag) =	ssettag $0x1  }
0x1: {  	s0 =	rddreg [dreg:$0x0]  }
0x2: {  	s4 =	rddreg [dreg:$0x1];
	s2 =	simm.s32 $0x0  }
0x3: {  	s3 =	srdreg.scid;
	s1 =	stileid.u32;
	s11 =	simm.s32 $0x5  }
0x4: {  	s12 =	simm.s32 $0x400;
	s13 =	simm.s32 $0xC00;
	s14 =	simm.s32 $0x1400  }
0x5: {  	s15 =	simm.s32 $0x1C00;
	s16 =	simm.s32 $0x2400;
	s17 =	simm.s32 $0x2C00  }
0x6: {  	s18 =	simm.s32 $0x3400;
	s19 =	simm.s32 $0x3C00;
	s20 =	simm.s32 $0x4400  }
0x7: {  	s21 =	simm.s32 $0x4C00;
	s22 =	simm.s32 $0x5400;
	s23 =	simm.s32 $0x5C00  }
0x8: {  	s28 =	simm.s32 $0x7C00;
	s29 =	simm.s32 $0x1;
	s30 =	simm.s32 $0x3  }
0x9: {  	s31 =	simm.s32 $0x2;
	[smem:$0x7FF] =	sst s2;
	s5 =	sand.u32 $0x1, s3  }
0xa: {  	s6 =	sshll.u32 s1, $0x1;
	s3 =	sadd.s32 $0x1000, s0;
	_ =	strace $0x8000004A  }
0xb: {  	s7 =	ssub.s32 $0x2, s5;
	s5 =	sor.u32 s5, s6;
	s6 =	sadd.s32 $0x1200, s0  }
0xc: {  	s24 =	sshrl.u32 s7, $0x1;
	s8 =	sshll.u32 s5, $0x7;
	s5 =	sshll.u32 s5, $0xD  }
0xd: {  	s10 =	ssub.s32 s7, s24;
	s25 =	sadd.s32 s0, s8;
	s4 =	sadd.s32 s4, s5  }
0xe: {  	s5 =	sadd.s32 $0x1100, s0;
	s7 =	sadd.s32 $0x1300, s0;
	s24 =	simm.s32 $0x6400  }
0xf: {  	v2 =	vlaneseq.u32;
	s0 =	simm.s32 $0x4;
	[dreg:$0x3] =	wrdreg s25;
	s26 =	sadd.s32 $0x800, s4  }
0x10: {  	vm0 =	vmmov $0xffff;
	v1 =	vshrl.u32 v2, $0x3;
	s8 =	sadd.s32 $0x1000, s4;
	s9 =	sadd.s32 $0x1800, s4;
	s10 =	smax.u32 s10, $0x1  }
0x11: {  	v0 =	vand.u32 $0x7, v2;
	v2 =	vor.u32 $0x8, v2;
	v1 =	vmul.u32 $0x8, v1;
	s25 =	simm.s32 $0x6C00;
	[dreg:$0x4] =	wrdreg s26;
	s26 =	simm.s32 $0x7400  }
.LBB2_1:
0x12: {  	s1 =	rddreg [dreg:$0x3]  }
0x13: {  	[tilespmem:s2], [sflag:$0x5] =	stream.linear.gather [hbm4b:s1+s2], $0x400, $0x38;
	[tilespmem:$0x8400] =	vst v63  }
0x14: {  	_ =	swait.ge [sflag:s11], $0x400  }
0x15: {  	[sflag:s11] =	ssyncset.done $0x0  }
0x16: {  	[sflag:s11] =	ssyncadd.s32 $0xFFFFFC00  }
0x17: {  	v3 =	vld [tilespmem:$0x0];
	_ =	sdelay $0x4  }
0x18: {  	v4 =	vshll.u32 v3, $0x3  }
0x19: {  	v3 =	vand.u32 $0x7, v3;
	v4 =	vand.u32 $0xFFFFFFC0, v4  }
0x1a: {  	v3 =	vor.u32 v3, v4  }
0x1b: {  	v4 =	vperm.xlane v3, v0;
	_ =	sdelay $0x1  }
0x1c: {  	v4 =	vadd.s32 v1, v4;
	_ =	sdelay $0x4  }
0x1d: {  	[tilespmem:s12], [sflag:$0x1] =	stream.indirect_vreg.gather [hbm4b:s3+s2], $0x80, v4, vm0, $0xb8;
	[tilespmem:$0x8400] =	vst v63  }
0x1e: {  	v3 =	vperm.xlane v3, v2  }
0x1f: {  	[tilespmem:s13], [sflag:$0x1] =	stream.indirect_vreg.gather [hbm4b:s5+s2], $0x80, v4, vm0, $0xb8;
	[tilespmem:$0x8400] =	vst v63  }
0x20: {  	v3 =	vadd.s32 v1, v3  }
0x21: {  	[tilespmem:s14], [sflag:$0x1] =	stream.indirect_vreg.gather [hbm4b:s6+s2], $0x80, v4, vm0, $0xb8;
	[tilespmem:$0x8400] =	vst v63  }
0x22: {  	_ = 	snop  }
0x23: {  	[tilespmem:s15], [sflag:$0x1] =	stream.indirect_vreg.gather [hbm4b:s7+s2], $0x80, v4, vm0, $0xb8;
	[tilespmem:$0x8400] =	vst v63  }
0x24: {  	_ = 	snop  }
0x25: {  	[tilespmem:s16], [sflag:$0x1] =	stream.indirect_vreg.gather [hbm4b:s3+s2], $0x80, v3, vm0, $0xb8;
	[tilespmem:$0x8400] =	vst v63  }
0x26: {  	_ = 	snop  }
0x27: {  	[tilespmem:s17], [sflag:$0x1] =	stream.indirect_vreg.gather [hbm4b:s5+s2], $0x80, v3, vm0, $0xb8;
	[tilespmem:$0x8400] =	vst v63  }
0x28: {  	_ = 	snop  }
0x29: {  	[tilespmem:s18], [sflag:$0x1] =	stream.indirect_vreg.gather [hbm4b:s6+s2], $0x80, v3, vm0, $0xb8;
	[tilespmem:$0x8400] =	vst v63  }
0x2a: {  	_ = 	snop  }
0x2b: {  	[tilespmem:s19], [sflag:$0x1] =	stream.indirect_vreg.gather [hbm4b:s7+s2], $0x80, v3, vm0, $0xb8;
	[tilespmem:$0x8400] =	vst v63  }
0x2c: {  	v3 =	vld [tilespmem:$0x80];
	_ =	sdelay $0x4  }
0x2d: {  	v61 =	vshll.u32 v3, $0x3  }
0x2e: {  	v3 =	vand.u32 $0x7, v3;
	v4 =	vand.u32 $0xFFFFFFC0, v61  }
0x2f: {  	v3 =	vor.u32 v3, v4  }
0x30: {  	v4 =	vperm.xlane v3, v0;
	_ =	sdelay $0x1  }
0x31: {  	v4 =	vadd.s32 v1, v4;
	_ =	sdelay $0x4  }
0x32: {  	[tilespmem:s20], [sflag:$0x2] =	stream.indirect_vreg.gather [hbm4b:s3+s2], $0x80, v4, vm0, $0xb8;
	[tilespmem:$0x8400] =	vst v63  }
0x33: {  	v3 =	vperm.xlane v3, v2  }
0x34: {  	[tilespmem:s21], [sflag:$0x2] =	stream.indirect_vreg.gather [hbm4b:s5+s2], $0x80, v4, vm0, $0xb8;
	[tilespmem:$0x8400] =	vst v63  }
0x35: {  	v3 =	vadd.s32 v1, v3  }
0x36: {  	[tilespmem:s22], [sflag:$0x2] =	stream.indirect_vreg.gather [hbm4b:s6+s2], $0x80, v4, vm0, $0xb8;
	[tilespmem:$0x8400] =	vst v63  }
0x37: {  	_ = 	snop  }
0x38: {  	[tilespmem:s23], [sflag:$0x2] =	stream.indirect_vreg.gather [hbm4b:s7+s2], $0x80, v4, vm0, $0xb8;
	[tilespmem:$0x8400] =	vst v63  }
0x39: {  	_ = 	snop  }
0x3a: {  	[tilespmem:s24], [sflag:$0x2] =	stream.indirect_vreg.gather [hbm4b:s3+s2], $0x80, v3, vm0, $0xb8;
	[tilespmem:$0x8400] =	vst v63  }
0x3b: {  	_ = 	snop  }
0x3c: {  	[tilespmem:s25], [sflag:$0x2] =	stream.indirect_vreg.gather [hbm4b:s5+s2], $0x80, v3, vm0, $0xb8;
	[tilespmem:$0x8400] =	vst v63  }
0x3d: {  	_ = 	snop  }
0x3e: {  	[tilespmem:s26], [sflag:$0x2] =	stream.indirect_vreg.gather [hbm4b:s6+s2], $0x80, v3, vm0, $0xb8;
	[tilespmem:$0x8400] =	vst v63  }
0x3f: {  	_ = 	snop  }
0x40: {  	[tilespmem:s28], [sflag:$0x2] =	stream.indirect_vreg.gather [hbm4b:s7+s2], $0x80, v3, vm0, $0xb8;
	[tilespmem:$0x8400] =	vst v63  }
0x41: {  	_ =	swait.ge [sflag:s29], $0x4000  }
0x42: {  	[sflag:s29] =	ssyncset.done $0x0  }
0x43: {  	[sflag:s29] =	ssyncadd.s32 $0xFFFFC000  }
0x44: {  	[hbm4b:s4+s2] =	stream.linear.scatter [tilespmem:s12], [sflag:$0x3], $0x4000, $0x38;
	[tilespmem:$0x8400] =	vst v63  }
0x45: {  	_ =	swait.ge [sflag:s30], $0x4000  }
0x46: {  	[sflag:s30] =	ssyncset.done $0x0  }
0x47: {  	[sflag:s30] =	ssyncadd.s32 $0xFFFFC000  }
0x48: {  	v3 =	vld [tilespmem:$0x100];
	_ =	sdelay $0x4  }
0x49: {  	v62 =	vshll.u32 v3, $0x3  }
0x4a: {  	v3 =	vand.u32 $0x7, v3;
	v4 =	vand.u32 $0xFFFFFFC0, v62  }
0x4b: {  	v3 =	vor.u32 v3, v4  }
0x4c: {  	v4 =	vperm.xlane v3, v0;
	_ =	sdelay $0x1  }
0x4d: {  	v4 =	vadd.s32 v1, v4;
	_ =	sdelay $0x4  }
0x4e: {  	[tilespmem:s12], [sflag:$0x1] =	stream.indirect_vreg.gather [hbm4b:s3+s2], $0x80, v4, vm0, $0xb8;
	[tilespmem:$0x8400] =	vst v63  }
0x4f: {  	v3 =	vperm.xlane v3, v2  }
0x50: {  	[tilespmem:s13], [sflag:$0x1] =	stream.indirect_vreg.gather [hbm4b:s5+s2], $0x80, v4, vm0, $0xb8;
	[tilespmem:$0x8400] =	vst v63  }
0x51: {  	v3 =	vadd.s32 v1, v3  }
0x52: {  	[tilespmem:s14], [sflag:$0x1] =	stream.indirect_vreg.gather [hbm4b:s6+s2], $0x80, v4, vm0, $0xb8;
	[tilespmem:$0x8400] =	vst v63  }
0x53: {  	_ = 	snop  }
0x54: {  	[tilespmem:s15], [sflag:$0x1] =	stream.indirect_vreg.gather [hbm4b:s7+s2], $0x80, v4, vm0, $0xb8;
	[tilespmem:$0x8400] =	vst v63  }
0x55: {  	_ = 	snop  }
0x56: {  	[tilespmem:s16], [sflag:$0x1] =	stream.indirect_vreg.gather [hbm4b:s3+s2], $0x80, v3, vm0, $0xb8;
	[tilespmem:$0x8400] =	vst v63  }
0x57: {  	_ = 	snop  }
0x58: {  	[tilespmem:s17], [sflag:$0x1] =	stream.indirect_vreg.gather [hbm4b:s5+s2], $0x80, v3, vm0, $0xb8;
	[tilespmem:$0x8400] =	vst v63  }
0x59: {  	_ = 	snop  }
0x5a: {  	[tilespmem:s18], [sflag:$0x1] =	stream.indirect_vreg.gather [hbm4b:s6+s2], $0x80, v3, vm0, $0xb8;
	[tilespmem:$0x8400] =	vst v63  }
0x5b: {  	_ = 	snop  }
0x5c: {  	[tilespmem:s19], [sflag:$0x1] =	stream.indirect_vreg.gather [hbm4b:s7+s2], $0x80, v3, vm0, $0xb8;
	[tilespmem:$0x8400] =	vst v63  }
0x5d: {  	_ =	swait.ge [sflag:s31], $0x4000  }
0x5e: {  	[sflag:s31] =	ssyncset.done $0x0  }
0x5f: {  	s1 =	rddreg [dreg:$0x4];
	[sflag:s31] =	ssyncadd.s32 $0xFFFFC000  }
0x60: {  	[hbm4b:s1+s2] =	stream.linear.scatter [tilespmem:s20], [sflag:$0x4], $0x4000, $0x38;
	[tilespmem:$0x8400] =	vst v63  }
0x61: {  	_ =	swait.ge [sflag:s0], $0x4000  }
0x62: {  	[sflag:s0] =	ssyncset.done $0x0  }
0x63: {  	[sflag:s0] =	ssyncadd.s32 $0xFFFFC000  }
0x64: {  	v3 =	vld [tilespmem:$0x180];
	_ =	sdelay $0x4  }
0x65: {  	v63 =	vshll.u32 v3, $0x3  }
0x66: {  	v3 =	vand.u32 $0x7, v3;
	v4 =	vand.u32 $0xFFFFFFC0, v63  }
0x67: {  	v3 =	vor.u32 v3, v4  }
0x68: {  	v4 =	vperm.xlane v3, v0;
	_ =	sdelay $0x1  }
0x69: {  	v4 =	vadd.s32 v1, v4;
	_ =	sdelay $0x4  }
0x6a: {  	[tilespmem:s20], [sflag:$0x2] =	stream.indirect_vreg.gather [hbm4b:s3+s2], $0x80, v4, vm0, $0xb8;
	[tilespmem:$0x8400] =	vst v63  }
0x6b: {  	v3 =	vperm.xlane v3, v2  }
0x6c: {  	[tilespmem:s21], [sflag:$0x2] =	stream.indirect_vreg.gather [hbm4b:s5+s2], $0x80, v4, vm0, $0xb8;
	[tilespmem:$0x8400] =	vst v63  }
0x6d: {  	v3 =	vadd.s32 v1, v3  }
0x6e: {  	[tilespmem:s22], [sflag:$0x2] =	stream.indirect_vreg.gather [hbm4b:s6+s2], $0x80, v4, vm0, $0xb8;
	[tilespmem:$0x8400] =	vst v63  }
0x6f: {  	_ = 	snop  }
0x70: {  	[tilespmem:s23], [sflag:$0x2] =	stream.indirect_vreg.gather [hbm4b:s7+s2], $0x80, v4, vm0, $0xb8;
	[tilespmem:$0x8400] =	vst v63  }
0x71: {  	_ = 	snop  }
0x72: {  	[tilespmem:s24], [sflag:$0x2] =	stream.indirect_vreg.gather [hbm4b:s3+s2], $0x80, v3, vm0, $0xb8;
	[tilespmem:$0x8400] =	vst v63  }
0x73: {  	_ = 	snop  }
0x74: {  	[tilespmem:s25], [sflag:$0x2] =	stream.indirect_vreg.gather [hbm4b:s5+s2], $0x80, v3, vm0, $0xb8;
	[tilespmem:$0x8400] =	vst v63  }
0x75: {  	_ = 	snop  }
0x76: {  	[tilespmem:s26], [sflag:$0x2] =	stream.indirect_vreg.gather [hbm4b:s6+s2], $0x80, v3, vm0, $0xb8;
	[tilespmem:$0x8400] =	vst v63  }
0x77: {  	_ = 	snop  }
0x78: {  	[tilespmem:s28], [sflag:$0x2] =	stream.indirect_vreg.gather [hbm4b:s7+s2], $0x80, v3, vm0, $0xb8;
	[tilespmem:$0x8400] =	vst v63  }
0x79: {  	_ =	swait.ge [sflag:s29], $0x4000  }
0x7a: {  	[sflag:s29] =	ssyncset.done $0x0  }
0x7b: {  	[sflag:s29] =	ssyncadd.s32 $0xFFFFC000  }
0x7c: {  	[hbm4b:s8+s2] =	stream.linear.scatter [tilespmem:s12], [sflag:$0x3], $0x4000, $0x38;
	[tilespmem:$0x8400] =	vst v63  }
0x7d: {  	_ =	swait.ge [sflag:s31], $0x4000  }
0x7e: {  	[sflag:s31] =	ssyncset.done $0x0  }
0x7f: {  	[sflag:s31] =	ssyncadd.s32 $0xFFFFC000  }
0x80: {  	[hbm4b:s9+s2] =	stream.linear.scatter [tilespmem:s20], [sflag:$0x4], $0x4000, $0x38;
	[tilespmem:$0x8400] =	vst v63  }
0x81: {  	p0 =	sne.s32 s10, $0x1;
	_ =	swait.ge [sflag:s0], $0x4000  }
.Ltmp0:
0x82: {  	[sflag:s0] =	ssyncset.done $0x0;
	(pc) =	sbr.rel @p0 .LBB2_1-.Ltmp0, $4  }
0x83: {  	[sflag:s0] =	ssyncadd.s32 $0xFFFFC000  }
0x84: {  	_ =	swait.ge [sflag:s30], $0x4000  }
0x85: {  	[sflag:s30] =	ssyncset.done $0x0  }
0x86: {  	s10 =	sadd.s32 $0xFFFFFFFF, s10;
	[sflag:s30] =	ssyncadd.s32 $0xFFFFC000  }
0x87: {  	_ =	sfence.sel $0x180000  }
0x88: {  	[bflag:$0x0] =	sbarrier.arrive $0xFFFF  }
0x89: {  	_ =	strace $0x9000004A  }
0x8a: {  	s0 =	stileid.u32;
	[bflag:$0x2] =	sbarrier.arrive $0xFFFF  }
0x8b: {  	p0 =	sne.s32 s0, $0x0;
	s0 =	rddreg [dreg:$0x2]  }
0x8c: {  	s0 =	sadd.s32 @!p0 $0x100000, s0  }
0x8d: {  	[sflag:s0] =	ssyncadd.tile.s32 @!p0 $0x1;
	_ =	shalt  }
.Lfunc_end2:
_tile_overlayer_lowered:
.L_overlay_start_2:
0x8e: {  	(tag) =	ssettag $0x2  }
0x8f: {  	s0 =	rddreg [dreg:$0x0];
	s2 =	stileid.u32  }
0x90: {  	s1 =	rddreg [dreg:$0x1];
	p0 =	sne.s32 s2, $0x0  }
0x91: {  	s3 =	rddreg [dreg:$0x2];
	[bflag:$0x3] =	sbarrier.arrive $0xFFFF;
	s2 =	simm.s32 @!p0 $0x1C05  }
0x92: {  	[timem:s3], [sflag:s2] =	dma.local @!p0 [hbm:s0], s1  }
0x93: {  	s0 =	simm.s32 @!p0 $0x5  }
0x94: {  	_ =	swait.ge @!p0 [sflag:s0], s1  }
0x95: {  	s1 =	ssub.s32 @!p0 $0x0, s1;
	[sflag:s0] =	ssyncset.done @!p0 $0x0  }
0x96: {  	[sflag:s0] =	ssyncadd.s32 @!p0 s1  }
0x97: {  	[bflag:$0x3] =	sbarrier.arrive $0xFFFF  }
0x98: {  	_ =	shalt  }

// kernel: kernel.8.cloned.1.call-start
scs
__scs_entry_jumppad:
0x0: {  	(pc) =	sbr.rel $0x88, $3  }
0x1: {  	(tag) =	ssettag $0x0;
	lr =	simm.s32 $0x1  }
0x2: {  	[smem:$0x3F99] =	sst lr;
	_ =	strace $0xD0000000  }
0x3: {  	_ = 	snop  }
0x4: {  	_ = 	snop  }
0x5: {  	_ = 	snop  }
0x6: {  	_ = 	snop  }
0x7: {  	_ = 	snop  }
__scs_overlays_trampoline_lowered:
0x8: {  	[smem:$0x3FA8] =	sst s0  }
0x9: {  	[smem:$0x3FA9] =	sst s1  }
0xa: {  	[smem:$0x3FAA] =	sst s2  }
0xb: {  	[smem:$0x3FAB] =	sst s3  }
0xc: {  	[smem:$0x3FAC] =	sst s4  }
0xd: {  	[smem:$0x3FAD] =	sst s5  }
0xe: {  	[smem:$0x3FAE] =	sst s6  }
0xf: {  	[smem:$0x3FAF] =	sst s7  }
0x10: {  	[smem:$0x3FB0] =	sst s8  }
0x11: {  	[smem:$0x3FB1] =	sst s9;
	s0 =	simm.s32 @!p0 $0x0  }
0x12: {  	s1 =	sld [smem:$0x3F97];
	s0 =	simm.s32 @p0 $0x1  }
0x13: {  	[smem:$0x3FB2] =	sst s0;
	s0 =	simm.s32 @!p1 $0x0  }
0x14: {  	s2 =	sld [smem:$0x3F96];
	s0 =	simm.s32 @p1 $0x1  }
0x15: {  	[smem:$0x3FB3] =	sst s0;
	s0 =	simm.s32 @!p2 $0x0  }
0x16: {  	s3 =	sld [smem:$0x3FDB];
	s0 =	simm.s32 @p2 $0x1  }
0x17: {  	s4 =	simm.s32 $0x1BF5;
	[smem:$0x3FB5] =	sst s0  }
0x18: {  	s0 =	sld [smem:$0x3F98];
	_ =	swait.ge [sflag:s4], $0x0  }
0x19: {  	s7 =	sld [smem:$0x3F99]  }
0x1a: {  	s8 =	sadd.s32 $0xFFFFE003, lr  }
0x1b: {  	s9 =	sadd.s32 $0xFFFFFEF7, lr;
	s5 =	simm.s32 $0xFFFFFFFF;
	p2 =	slt.u32 s8, $0xFFFFF086  }
0x1c: {  	p1 =	slt.u32 s9, $0xF7A;
	s5 =	simm.s32 @!p2 $0x0  }
0x1d: {  	s5 =	simm.s32 @p1 $0x1;
	p0 =	seq.s32 s7, s2  }
0x1e: {  	s7 =	smul.u32 @!p0 $0xF7A, s2;
	p2 =	seq.s32 @!p0 s5, $0x0  }
0x1f: {  	s9 =	smul.u32 $0xF7A, s1;
	s8 =	simm.s32 @!p0 $0x1BF5;
	p2 =	por !p2, p0  }
0x20: {  	[sflag:s8] =	ssyncset.s32 @!p0 $0xFFFFF086;
	s6 =	sadd.s32 @!p0 s3, s7;
	s7 =	simm.s32 @!p0 $0x108  }
0x21: {  	s3 =	sadd.s32 s3, s9;
	s6 =	sadd.s32 @!p0 $0x88, s6;
	s7 =	simm.s32 @p2 $0x1082  }
0x22: {  	[simem:s7], [sflag:s8] =	dma.local @!p0 [hbm:s6], $0xF7A  }
0x23: {  	s9 =	sor.u32 $0xD0000000, s2;
	s6 =	simm.s32 $0x108;
	_ =	swait.ge @!p0 [sflag:s8], $0x0  }
0x24: {  	s3 =	sadd.s32 $0x88, s3;
	s6 =	simm.s32 @!p1 $0x1082;
	[sflag:s4] =	ssyncset.s32 $0xFFFFF086  }
0x25: {  	[simem:s6], [sflag:s4] =	dma.local [hbm:s3], $0xF7A  }
0x26: {  	[smem:$0x3F99] =	sst s1;
	(tag) =	ssettag s2;
	_ =	strace s9  }
0x27: {  	s1 =	sld [smem:$0x3FA9]  }
0x28: {  	s2 =	sld [smem:$0x3FAA]  }
0x29: {  	s4 =	sld [smem:$0x3FAC]  }
0x2a: {  	p0 =	seq.s32 s5, $0x0;
	s5 =	sld [smem:$0x3FAD]  }
0x2b: {  	s6 =	sld [smem:$0x3FAE]  }
0x2c: {  	s7 =	sld [smem:$0x3FAF]  }
0x2d: {  	s3 =	simm.s32 $0x108;
	s8 =	sld [smem:$0x3FB0]  }
0x2e: {  	s3 =	simm.s32 @!p0 $0x1082;
	s9 =	sld [smem:$0x3FB1]  }
0x2f: {  	lr =	sadd.s32 s0, s3;
	s0 =	sld [smem:$0x3FA8]  }
0x30: {  	s3 =	sld [smem:$0x3FAB]  }
0x31: {  	[smem:$0x3FB4] =	sst s10  }
0x32: {  	s10 =	sld [smem:$0x3FB2];
	_ =	sdelay $0x3  }
0x33: {  	p0 =	seq.s32 s10, $0x1;
	s10 =	sld [smem:$0x3FB4];
	_ =	sdelay $0x3  }
0x34: {  	[smem:$0x3FB4] =	sst s10  }
0x35: {  	s10 =	sld [smem:$0x3FB3];
	_ =	sdelay $0x3  }
0x36: {  	p1 =	seq.s32 s10, $0x1;
	s10 =	sld [smem:$0x3FB4];
	_ =	sdelay $0x3  }
0x37: {  	[smem:$0x3FB4] =	sst s10  }
0x38: {  	s10 =	sld [smem:$0x3FB5]  }
0x39: {  	_ = 	snop;
	(pc) =	sbr.ind lr, $3  }
0x3a: {  	_ = 	snop  }
0x3b: {  	_ = 	snop  }
0x3c: {  	p2 =	seq.s32 s10, $0x1;
	s10 =	sld [smem:$0x3FB4]  }
0x3d: {  	_ =	shalt  }
0x3e: {  	_ =	shalt  }
0x3f: {  	_ =	shalt  }
0x40: {  	_ =	shalt  }
0x41: {  	_ =	shalt  }
0x42: {  	_ =	shalt  }
0x43: {  	_ =	shalt  }
0x44: {  	_ =	shalt  }
0x45: {  	_ =	shalt  }
0x46: {  	_ =	shalt  }
0x47: {  	_ =	shalt  }
0x48: {  	_ =	shalt  }
0x49: {  	_ =	shalt  }
0x4a: {  	_ =	shalt  }
0x4b: {  	_ =	shalt  }
0x4c: {  	_ =	shalt  }
0x4d: {  	_ =	shalt  }
0x4e: {  	_ =	shalt  }
0x4f: {  	_ =	shalt  }
0x50: {  	_ =	shalt  }
0x51: {  	_ =	shalt  }
0x52: {  	_ =	shalt  }
0x53: {  	_ =	shalt  }
0x54: {  	_ =	shalt  }
0x55: {  	_ =	shalt  }
0x56: {  	_ =	shalt  }
0x57: {  	_ =	shalt  }
0x58: {  	_ =	shalt  }
0x59: {  	_ =	shalt  }
0x5a: {  	_ =	shalt  }
0x5b: {  	_ =	shalt  }
0x5c: {  	_ =	shalt  }
0x5d: {  	_ =	shalt  }
0x5e: {  	_ =	shalt  }
0x5f: {  	_ =	shalt  }
0x60: {  	_ =	shalt  }
0x61: {  	_ =	shalt  }
0x62: {  	_ =	shalt  }
0x63: {  	_ =	shalt  }
0x64: {  	_ =	shalt  }
0x65: {  	_ =	shalt  }
0x66: {  	_ =	shalt  }
0x67: {  	_ =	shalt  }
0x68: {  	_ =	shalt  }
0x69: {  	_ =	shalt  }
0x6a: {  	_ =	shalt  }
0x6b: {  	_ =	shalt  }
0x6c: {  	_ =	shalt  }
0x6d: {  	_ =	shalt  }
0x6e: {  	_ =	shalt  }
0x6f: {  	_ =	shalt  }
0x70: {  	_ =	shalt  }
0x71: {  	_ =	shalt  }
0x72: {  	_ =	shalt  }
0x73: {  	_ =	shalt  }
0x74: {  	_ =	shalt  }
0x75: {  	_ =	shalt  }
0x76: {  	_ =	shalt  }
0x77: {  	_ =	shalt  }
0x78: {  	_ =	shalt  }
0x79: {  	_ =	shalt  }
0x7a: {  	_ =	shalt  }
0x7b: {  	_ =	shalt  }
0x7c: {  	_ =	shalt  }
0x7d: {  	_ =	shalt  }
0x7e: {  	_ =	shalt  }
0x7f: {  	_ =	shalt  }
0x80: {  	_ =	shalt  }
0x81: {  	_ =	shalt  }
0x82: {  	_ =	shalt  }
0x83: {  	_ =	shalt  }
0x84: {  	_ =	shalt  }
0x85: {  	_ =	shalt  }
0x86: {  	_ =	shalt  }
0x87: {  	_ =	shalt  }
.Lfunc_end0:
.L_simem_size_0:
called_computation_lowered:
.L_overlay_start_0:
0x88: {  	s2 =	sld [smem:$0x3FD9]  }
0x89: {  	s3 =	sld [smem:$0x3FFE];
	_ =	sdelay $0x1  }
0x8a: {  	s1 =	srdreg.scid  }
0x8b: {  	s0 =	sand.u32 $0x1, s1  }
0x8c: {  	s17 =	sshll.u32 s0, $0xA;
	s2 =	sadd.s32 s3, s2  }
0x8d: {  	s2 =	sadd.s32 s2, s17  }
0x8e: {  	[smem:$0x3FC0] =	sst s2  }
0x8f: {  	_ = 	snop  }
0x90: {  	s2 =	sld [smem:$0x3FD0];
	(tm) =	ssettm $0x1  }
0x91: {  	s18 =	sld [smem:$0x3FFB];
	_ =	sdelay $0x3  }
0x92: {  	_ =	strace s18  }
0x93: {  	s3 =	sld [smem:$0x3FFC];
	_ =	sdelay $0x3  }
0x94: {  	_ =	strace s3  }
0x95: {  	s3 =	sld [smem:$0x3FFD];
	_ =	sdelay $0x3  }
0x96: {  	_ =	strace s3  }
0x97: {  	_ =	strace $0x8FFFFFFF  }
0x98: {  	s19 =	sld [smem:$0x3FDB];
	_ =	sdelay $0x1  }
0x99: {  	s4 =	simm.s32 $_scs_section_size  }
0x9a: {  	s5 =	simm.s32 $_size__tile_overlayer_lowered;
	s6 =	simm.s32 $_tile_overlayer_lowered  }
0x9b: {  	s22 =	simm.s32 $0x1BFF;
	s21 =	sshll.u32 s6, $0x1;
	s3 =	sadd.s32 s4, s19  }
0x9c: {  	s7 =	simm.s32 $0x0;
	s20 =	sshll.u32 s5, $0x1;
	s5 =	sadd.s32 s21, s3  }
0x9d: {  	[timem:s7], [sflag:s22] =	dma.local [hbm:s5], s20  }
0x9e: {  	_ =	swait.ge [sflag:s22], s20  }
0x9f: {  	s4 =	ssub.s32 $0x0, s20;
	[sflag:s22] =	ssyncset.done $0x0  }
0xa0: {  	[sflag:s22] =	ssyncadd.s32 s4;
	_ =	sdelay $0x1  }
0xa1: {  	s23 =	simm.s32 $0x1B8B  }
0xa2: {  	_ =	swait.ge [sflag:s23], $0x1  }
0xa3: {  	[sflag:s23] =	ssyncset.done $0x0  }
0xa4: {  	s25 =	simm.s32 $0x1B8E;
	s24 =	sld [smem:$0x3FFE];
	[sflag:s23] =	ssyncadd.s32 $0xFFFFFFFF  }
0xa5: {  	s26 =	simm.s32 $execute0_lowered;
	[smem:$0x3FD2] =	sst s25  }
0xa6: {  	s5 =	sshll.u32 s26, $0x1;
	_ =	strace $0x80000046;
	[dreg:$0x1] =	wrdreg $0xFFFFFFFF  }
0xa7: {  	s28 =	simm.s32 $_size_execute0_lowered;
	s3 =	sadd.s32 s3, s5;
	[dreg:$0x0] =	wrdreg $0x0  }
0xa8: {  	s5 =	sshll.u32 s28, $0x1;
	[dreg:$0x2] =	wrdreg s3  }
0xa9: {  	[dreg:$0x3] =	wrdreg s5  }
0xaa: {  	[dreg:$0x4] =	wrdreg $0xC0  }
0xab: {  	_ =	task [dreg:s7], $0x5FFFF  }
0xac: {  	[dreg:$0x1] =	wrdreg $0xFFFFFFFF  }
0xad: {  	[dreg:$0x0] =	wrdreg $0x60  }
0xae: {  	[dreg:$0x2] =	wrdreg s2  }
0xaf: {  	[dreg:$0x3] =	wrdreg s24  }
0xb0: {  	[dreg:$0x4] =	wrdreg $0x9  }
0xb1: {  	_ =	task.clear_ibuf [dreg:s7], $0x5FFFF;
	_ =	strace $0x90000046  }
0xb2: {  	s29 =	simm.s32 $0x9;
	_ =	strace $0x80000048  }
0xb3: {  	_ =	swait.ge [sflag:s29], $0x1  }
0xb4: {  	[sflag:s29] =	ssyncadd.s32 $0xFFFFFFFF  }
0xb5: {  	_ =	strace $0x90000048  }
0xb6: {  	_ =	sfence  }
0xb7: {  	s30 =	sld [smem:$0x0];
	_ =	sdelay $0x2  }
0xb8: {  	s31 =	sshll.u32 s1, $0xD;
	s1 =	sshrl.u32 s1, $0x2  }
0xb9: {  	s3 =	sand.u32 $0x4000, s31;
	s1 =	sadd.s32 s1, s30  }
0xba: {  	s0 =	sor.u32 s3, s0;
	s1 =	sshll.u32 s1, $0x11  }
0xbb: {  	s0 =	sor.u32 s1, s0  }
0xbc: {  	s0 =	sadd.s32 $0x8F2B, s0  }
0xbd: {  	[sflag:s0] =	ssyncadd.remote.s32 $0x1  }
0xbe: {  	_ =	sfence.sel $0xFFFF  }
0xbf: {  	[dreg:$0x0] =	wrdreg $0xFFFFFFFF;
	(pc) =	sbr.abs _section_cstart, $3  }
0xc0: {  	[dreg:$0x1] =	wrdreg $0xFFFFFFFF  }
0xc1: {  	_ =	task.clear_ibuf [dreg:s7], $0x2FFFF;
	_ =	strace $0x9FFFFFFF  }
0xc2: {  	(tm) =	ssettm $0x7FFFFFFF  }
0xc3: {  	_ =	shalt  }
tec
execute0_lowered:
.L_overlay_start_1:
0x0: {  	(tag) =	ssettag $0x1  }
0x1: {  	s0 =	rddreg [dreg:$0x0]  }
0x2: {  	s7 =	rddreg [dreg:$0x1];
	s3 =	srdreg.scid  }
0x3: {  	s1 =	stileid.u32;
	s2 =	simm.s32 $0x0;
	s11 =	simm.s32 $0x5  }
0x4: {  	s12 =	simm.s32 $0x400;
	s13 =	simm.s32 $0x4400;
	s14 =	simm.s32 $0x1  }
0x5: {  	s15 =	simm.s32 $0xC00;
	s16 =	simm.s32 $0x1400;
	s17 =	simm.s32 $0x1C00  }
0x6: {  	s18 =	simm.s32 $0x2400;
	s19 =	simm.s32 $0x2C00;
	s20 =	simm.s32 $0x3400  }
0x7: {  	s21 =	simm.s32 $0x3C00;
	s22 =	simm.s32 $0x3;
	s23 =	simm.s32 $0x2  }
0x8: {  	s24 =	simm.s32 $0x4C00;
	s28 =	simm.s32 $0x6400;
	s29 =	simm.s32 $0x6C00  }
0x9: {  	s30 =	simm.s32 $0x7400;
	s3 =	sand.u32 $0x1, s3;
	s4 =	sshll.u32 s1, $0x1  }
0xa: {  	s31 =	simm.s32 $0x7C00;
	[smem:$0x7FF] =	sst s2;
	s4 =	sor.u32 s3, s4  }
0xb: {  	_ =	strace $0x80000047;
	s6 =	ssub.s32 $0x2, s3;
	s5 =	sshll.u32 s4, $0x7  }
0xc: {  	s4 =	sshll.u32 s4, $0xD;
	s25 =	sshrl.u32 s6, $0x1;
	s5 =	sadd.s32 s7, s5  }
0xd: {  	s3 =	sadd.s32 s0, s4;
	s4 =	sadd.s32 $0x1000, s7;
	s0 =	ssub.s32 s6, s25  }
0xe: {  	s6 =	sadd.s32 $0x1200, s7;
	s25 =	simm.s32 $0x5400;
	[dreg:$0x3] =	wrdreg s5  }
0xf: {  	v2 =	vlaneseq.u32;
	s26 =	sadd.s32 $0x800, s3;
	s5 =	sadd.s32 $0x1100, s7;
	s7 =	sadd.s32 $0x1300, s7  }
0x10: {  	vm0 =	vmmov $0xffff;
	v1 =	vshrl.u32 v2, $0x3;
	s8 =	sadd.s32 $0x1000, s3;
	s9 =	sadd.s32 $0x1800, s3;
	s10 =	smax.u32 s0, $0x1  }
0x11: {  	v0 =	vand.u32 $0x7, v2;
	v2 =	vor.u32 $0x8, v2;
	v1 =	vmul.u32 $0x8, v1;
	s0 =	simm.s32 $0x4;
	[dreg:$0x4] =	wrdreg s26;
	s26 =	simm.s32 $0x5C00  }
.LBB2_1:
0x12: {  	s1 =	rddreg [dreg:$0x3]  }
0x13: {  	[tilespmem:s2], [sflag:$0x5] =	stream.linear.gather [hbm4b:s1+s2], $0x400, $0x38;
	[tilespmem:$0x8400] =	vst v63  }
0x14: {  	_ =	swait.ge [sflag:s11], $0x400  }
0x15: {  	[sflag:s11] =	ssyncset.done $0x0  }
0x16: {  	[sflag:s11] =	ssyncadd.s32 $0xFFFFFC00  }
0x17: {  	[tilespmem:s12], [sflag:$0x1] =	stream.linear.gather [hbm4b:s3+s2], $0x4000, $0x38;
	[tilespmem:$0x8400] =	vst v63  }
0x18: {  	s1 =	rddreg [dreg:$0x4]  }
0x19: {  	[tilespmem:s13], [sflag:$0x2] =	stream.linear.gather [hbm4b:s1+s2], $0x4000, $0x38;
	[tilespmem:$0x8400] =	vst v63  }
0x1a: {  	_ =	swait.ge [sflag:s14], $0x4000  }
0x1b: {  	[sflag:s14] =	ssyncset.done $0x0  }
0x1c: {  	[sflag:s14] =	ssyncadd.s32 $0xFFFFC000  }
0x1d: {  	v3 =	vld [tilespmem:$0x0];
	_ =	sdelay $0x4  }
0x1e: {  	v4 =	vshll.u32 v3, $0x3  }
0x1f: {  	v3 =	vand.u32 $0x7, v3;
	v4 =	vand.u32 $0xFFFFFFC0, v4  }
0x20: {  	v3 =	vor.u32 v3, v4  }
0x21: {  	v4 =	vperm.xlane v3, v0;
	_ =	sdelay $0x1  }
0x22: {  	v4 =	vadd.s32 v1, v4;
	_ =	sdelay $0x4  }
0x23: {  	[hbm4b:s4+s2] =	stream.indirect_vreg.scatter [tilespmem:s12], [sflag:$0x3], $0x80, v4, vm0, $0xb8;
	[tilespmem:$0x8400] =	vst v63  }
0x24: {  	v3 =	vperm.xlane v3, v2  }
0x25: {  	[hbm4b:s5+s2] =	stream.indirect_vreg.scatter [tilespmem:s15], [sflag:$0x3], $0x80, v4, vm0, $0xb8;
	[tilespmem:$0x8400] =	vst v63  }
0x26: {  	v3 =	vadd.s32 v1, v3  }
0x27: {  	[hbm4b:s6+s2] =	stream.indirect_vreg.scatter [tilespmem:s16], [sflag:$0x3], $0x80, v4, vm0, $0xb8;
	[tilespmem:$0x8400] =	vst v63  }
0x28: {  	_ = 	snop  }
0x29: {  	[hbm4b:s7+s2] =	stream.indirect_vreg.scatter [tilespmem:s17], [sflag:$0x3], $0x80, v4, vm0, $0xb8;
	[tilespmem:$0x8400] =	vst v63  }
0x2a: {  	_ = 	snop  }
0x2b: {  	[hbm4b:s4+s2] =	stream.indirect_vreg.scatter [tilespmem:s18], [sflag:$0x3], $0x80, v3, vm0, $0xb8;
	[tilespmem:$0x8400] =	vst v63  }
0x2c: {  	_ = 	snop  }
0x2d: {  	[hbm4b:s5+s2] =	stream.indirect_vreg.scatter [tilespmem:s19], [sflag:$0x3], $0x80, v3, vm0, $0xb8;
	[tilespmem:$0x8400] =	vst v63  }
0x2e: {  	_ = 	snop  }
0x2f: {  	[hbm4b:s6+s2] =	stream.indirect_vreg.scatter [tilespmem:s20], [sflag:$0x3], $0x80, v3, vm0, $0xb8;
	[tilespmem:$0x8400] =	vst v63  }
0x30: {  	_ = 	snop  }
0x31: {  	[hbm4b:s7+s2] =	stream.indirect_vreg.scatter [tilespmem:s21], [sflag:$0x3], $0x80, v3, vm0, $0xb8;
	[tilespmem:$0x8400] =	vst v63  }
0x32: {  	_ =	swait.ge [sflag:s22], $0x4000  }
0x33: {  	[sflag:s22] =	ssyncset.done $0x0  }
0x34: {  	[sflag:s22] =	ssyncadd.s32 $0xFFFFC000  }
0x35: {  	[tilespmem:s12], [sflag:$0x1] =	stream.linear.gather [hbm4b:s8+s2], $0x4000, $0x38;
	[tilespmem:$0x8400] =	vst v63  }
0x36: {  	_ =	swait.ge [sflag:s23], $0x4000  }
0x37: {  	[sflag:s23] =	ssyncset.done $0x0  }
0x38: {  	[sflag:s23] =	ssyncadd.s32 $0xFFFFC000  }
0x39: {  	v3 =	vld [tilespmem:$0x80];
	_ =	sdelay $0x4  }
0x3a: {  	v61 =	vshll.u32 v3, $0x3  }
0x3b: {  	v3 =	vand.u32 $0x7, v3;
	v4 =	vand.u32 $0xFFFFFFC0, v61  }
0x3c: {  	v3 =	vor.u32 v3, v4  }
0x3d: {  	v4 =	vperm.xlane v3, v0;
	_ =	sdelay $0x1  }
0x3e: {  	v4 =	vadd.s32 v1, v4;
	_ =	sdelay $0x4  }
0x3f: {  	[hbm4b:s4+s2] =	stream.indirect_vreg.scatter [tilespmem:s13], [sflag:$0x4], $0x80, v4, vm0, $0xb8;
	[tilespmem:$0x8400] =	vst v63  }
0x40: {  	v3 =	vperm.xlane v3, v2  }
0x41: {  	[hbm4b:s5+s2] =	stream.indirect_vreg.scatter [tilespmem:s24], [sflag:$0x4], $0x80, v4, vm0, $0xb8;
	[tilespmem:$0x8400] =	vst v63  }
0x42: {  	v3 =	vadd.s32 v1, v3  }
0x43: {  	[hbm4b:s6+s2] =	stream.indirect_vreg.scatter [tilespmem:s25], [sflag:$0x4], $0x80, v4, vm0, $0xb8;
	[tilespmem:$0x8400] =	vst v63  }
0x44: {  	_ = 	snop  }
0x45: {  	[hbm4b:s7+s2] =	stream.indirect_vreg.scatter [tilespmem:s26], [sflag:$0x4], $0x80, v4, vm0, $0xb8;
	[tilespmem:$0x8400] =	vst v63  }
0x46: {  	_ = 	snop  }
0x47: {  	[hbm4b:s4+s2] =	stream.indirect_vreg.scatter [tilespmem:s28], [sflag:$0x4], $0x80, v3, vm0, $0xb8;
	[tilespmem:$0x8400] =	vst v63  }
0x48: {  	_ = 	snop  }
0x49: {  	[hbm4b:s5+s2] =	stream.indirect_vreg.scatter [tilespmem:s29], [sflag:$0x4], $0x80, v3, vm0, $0xb8;
	[tilespmem:$0x8400] =	vst v63  }
0x4a: {  	_ = 	snop  }
0x4b: {  	[hbm4b:s6+s2] =	stream.indirect_vreg.scatter [tilespmem:s30], [sflag:$0x4], $0x80, v3, vm0, $0xb8;
	[tilespmem:$0x8400] =	vst v63  }
0x4c: {  	_ = 	snop  }
0x4d: {  	[hbm4b:s7+s2] =	stream.indirect_vreg.scatter [tilespmem:s31], [sflag:$0x4], $0x80, v3, vm0, $0xb8;
	[tilespmem:$0x8400] =	vst v63  }
0x4e: {  	_ =	swait.ge [sflag:s0], $0x4000  }
0x4f: {  	[sflag:s0] =	ssyncset.done $0x0  }
0x50: {  	[sflag:s0] =	ssyncadd.s32 $0xFFFFC000  }
0x51: {  	[tilespmem:s13], [sflag:$0x2] =	stream.linear.gather [hbm4b:s9+s2], $0x4000, $0x38;
	[tilespmem:$0x8400] =	vst v63  }
0x52: {  	_ =	swait.ge [sflag:s14], $0x4000  }
0x53: {  	[sflag:s14] =	ssyncset.done $0x0  }
0x54: {  	[sflag:s14] =	ssyncadd.s32 $0xFFFFC000  }
0x55: {  	v3 =	vld [tilespmem:$0x100];
	_ =	sdelay $0x4  }
0x56: {  	v62 =	vshll.u32 v3, $0x3  }
0x57: {  	v3 =	vand.u32 $0x7, v3;
	v4 =	vand.u32 $0xFFFFFFC0, v62  }
0x58: {  	v3 =	vor.u32 v3, v4  }
0x59: {  	v4 =	vperm.xlane v3, v0;
	_ =	sdelay $0x1  }
0x5a: {  	v4 =	vadd.s32 v1, v4;
	_ =	sdelay $0x4  }
0x5b: {  	[hbm4b:s4+s2] =	stream.indirect_vreg.scatter [tilespmem:s12], [sflag:$0x3], $0x80, v4, vm0, $0xb8;
	[tilespmem:$0x8400] =	vst v63  }
0x5c: {  	v3 =	vperm.xlane v3, v2  }
0x5d: {  	[hbm4b:s5+s2] =	stream.indirect_vreg.scatter [tilespmem:s15], [sflag:$0x3], $0x80, v4, vm0, $0xb8;
	[tilespmem:$0x8400] =	vst v63  }
0x5e: {  	v3 =	vadd.s32 v1, v3  }
0x5f: {  	[hbm4b:s6+s2] =	stream.indirect_vreg.scatter [tilespmem:s16], [sflag:$0x3], $0x80, v4, vm0, $0xb8;
	[tilespmem:$0x8400] =	vst v63  }
0x60: {  	_ = 	snop  }
0x61: {  	[hbm4b:s7+s2] =	stream.indirect_vreg.scatter [tilespmem:s17], [sflag:$0x3], $0x80, v4, vm0, $0xb8;
	[tilespmem:$0x8400] =	vst v63  }
0x62: {  	_ = 	snop  }
0x63: {  	[hbm4b:s4+s2] =	stream.indirect_vreg.scatter [tilespmem:s18], [sflag:$0x3], $0x80, v3, vm0, $0xb8;
	[tilespmem:$0x8400] =	vst v63  }
0x64: {  	_ = 	snop  }
0x65: {  	[hbm4b:s5+s2] =	stream.indirect_vreg.scatter [tilespmem:s19], [sflag:$0x3], $0x80, v3, vm0, $0xb8;
	[tilespmem:$0x8400] =	vst v63  }
0x66: {  	_ = 	snop  }
0x67: {  	[hbm4b:s6+s2] =	stream.indirect_vreg.scatter [tilespmem:s20], [sflag:$0x3], $0x80, v3, vm0, $0xb8;
	[tilespmem:$0x8400] =	vst v63  }
0x68: {  	_ = 	snop  }
0x69: {  	[hbm4b:s7+s2] =	stream.indirect_vreg.scatter [tilespmem:s21], [sflag:$0x3], $0x80, v3, vm0, $0xb8;
	[tilespmem:$0x8400] =	vst v63  }
0x6a: {  	_ =	swait.ge [sflag:s23], $0x4000  }
0x6b: {  	[sflag:s23] =	ssyncset.done $0x0  }
0x6c: {  	[sflag:s23] =	ssyncadd.s32 $0xFFFFC000  }
0x6d: {  	v3 =	vld [tilespmem:$0x180];
	_ =	sdelay $0x4  }
0x6e: {  	v63 =	vshll.u32 v3, $0x3  }
0x6f: {  	v3 =	vand.u32 $0x7, v3;
	v4 =	vand.u32 $0xFFFFFFC0, v63  }
0x70: {  	v3 =	vor.u32 v3, v4  }
0x71: {  	v4 =	vperm.xlane v3, v0;
	_ =	sdelay $0x1  }
0x72: {  	v4 =	vadd.s32 v1, v4;
	_ =	sdelay $0x4  }
0x73: {  	[hbm4b:s4+s2] =	stream.indirect_vreg.scatter [tilespmem:s13], [sflag:$0x4], $0x80, v4, vm0, $0xb8;
	[tilespmem:$0x8400] =	vst v63  }
0x74: {  	v3 =	vperm.xlane v3, v2  }
0x75: {  	[hbm4b:s5+s2] =	stream.indirect_vreg.scatter [tilespmem:s24], [sflag:$0x4], $0x80, v4, vm0, $0xb8;
	[tilespmem:$0x8400] =	vst v63  }
0x76: {  	v3 =	vadd.s32 v1, v3  }
0x77: {  	[hbm4b:s6+s2] =	stream.indirect_vreg.scatter [tilespmem:s25], [sflag:$0x4], $0x80, v4, vm0, $0xb8;
	[tilespmem:$0x8400] =	vst v63  }
0x78: {  	_ = 	snop  }
0x79: {  	[hbm4b:s7+s2] =	stream.indirect_vreg.scatter [tilespmem:s26], [sflag:$0x4], $0x80, v4, vm0, $0xb8;
	[tilespmem:$0x8400] =	vst v63  }
0x7a: {  	_ = 	snop  }
0x7b: {  	[hbm4b:s4+s2] =	stream.indirect_vreg.scatter [tilespmem:s28], [sflag:$0x4], $0x80, v3, vm0, $0xb8;
	[tilespmem:$0x8400] =	vst v63  }
0x7c: {  	_ = 	snop  }
0x7d: {  	[hbm4b:s5+s2] =	stream.indirect_vreg.scatter [tilespmem:s29], [sflag:$0x4], $0x80, v3, vm0, $0xb8;
	[tilespmem:$0x8400] =	vst v63  }
0x7e: {  	_ = 	snop  }
0x7f: {  	[hbm4b:s6+s2] =	stream.indirect_vreg.scatter [tilespmem:s30], [sflag:$0x4], $0x80, v3, vm0, $0xb8;
	[tilespmem:$0x8400] =	vst v63  }
0x80: {  	_ = 	snop  }
0x81: {  	[hbm4b:s7+s2] =	stream.indirect_vreg.scatter [tilespmem:s31], [sflag:$0x4], $0x80, v3, vm0, $0xb8;
	[tilespmem:$0x8400] =	vst v63  }
0x82: {  	p0 =	sne.s32 s10, $0x1;
	_ =	swait.ge [sflag:s0], $0x4000  }
.Ltmp0:
0x83: {  	[sflag:s0] =	ssyncset.done $0x0;
	(pc) =	sbr.rel @p0 .LBB2_1-.Ltmp0, $4  }
0x84: {  	[sflag:s0] =	ssyncadd.s32 $0xFFFFC000  }
0x85: {  	_ =	swait.ge [sflag:s22], $0x4000  }
0x86: {  	[sflag:s22] =	ssyncset.done $0x0  }
0x87: {  	s10 =	sadd.s32 $0xFFFFFFFF, s10;
	[sflag:s22] =	ssyncadd.s32 $0xFFFFC000  }
0x88: {  	_ =	sfence.sel $0x180000  }
0x89: {  	[bflag:$0x0] =	sbarrier.arrive $0xFFFF  }
0x8a: {  	_ =	strace $0x90000047  }
0x8b: {  	s0 =	stileid.u32;
	[bflag:$0x2] =	sbarrier.arrive $0xFFFF  }
0x8c: {  	p0 =	sne.s32 s0, $0x0;
	s0 =	rddreg [dreg:$0x2]  }
0x8d: {  	s0 =	sadd.s32 @!p0 $0x100000, s0  }
0x8e: {  	[sflag:s0] =	ssyncadd.tile.s32 @!p0 $0x1;
	_ =	shalt  }
.Lfunc_end2:
_tile_overlayer_lowered:
.L_overlay_start_2:
0x8f: {  	(tag) =	ssettag $0x2  }
0x90: {  	s0 =	rddreg [dreg:$0x0];
	s2 =	stileid.u32  }
0x91: {  	s1 =	rddreg [dreg:$0x1];
	p0 =	sne.s32 s2, $0x0  }
0x92: {  	s3 =	rddreg [dreg:$0x2];
	[bflag:$0x3] =	sbarrier.arrive $0xFFFF;
	s2 =	simm.s32 @!p0 $0x1C05  }
0x93: {  	[timem:s3], [sflag:s2] =	dma.local @!p0 [hbm:s0], s1  }
0x94: {  	s0 =	simm.s32 @!p0 $0x5  }
0x95: {  	_ =	swait.ge @!p0 [sflag:s0], s1  }
0x96: {  	s1 =	ssub.s32 @!p0 $0x0, s1;
	[sflag:s0] =	ssyncset.done @!p0 $0x0  }
0x97: {  	[sflag:s0] =	ssyncadd.s32 @!p0 s1  }
0x98: {  	[bflag:$0x3] =	sbarrier.arrive $0xFFFF  }
0x99: {  	_ =	shalt  }

</sc_bundles>
